<compile_context>
chip_gen: v7x
topology: tpu7x:2x2x1
jax: 0.10.2.dev20260603
libtpu: 0.0.44.dev20260713+nightly
codegen_flags: <defaults>
</compile_context>

<pallas_src>
import functools
import jax
import jax.numpy as jnp
from jax import lax
from jax.experimental import pallas as pl
from jax.experimental.pallas import tpu as pltpu
from jax.experimental.pallas import tpu_sc as plsc

N = 10000
E = 320000
DIN = 14
H = 128
G = 256

NC = 2
NS = 16
NW = NC * NS
NP = 10240
EPW = E // NW
ZROWS = NP // NS
CW = 80
IPW = EPW // CW


def _make_edge_segsum(feat, nb):
    nstep = IPW
    mesh = plsc.VectorSubcoreMesh(
        core_axis_name="c", subcore_axis_name="s", num_cores=NC,
        num_subcores=NS)

    @functools.partial(
        pl.kernel,
        out_type=jax.ShapeDtypeStruct((NC, NP, feat), jnp.float32),
        mesh=mesh,
        compiler_params=pltpu.CompilerParams(use_tc_tiling_on_sc=False),
        scratch_types=[
            pltpu.VMEM((EPW,), jnp.int32),
            [pltpu.VMEM((CW,), jnp.int32) for _ in range(nb)],
            [pltpu.VMEM((CW, feat), jnp.float32) for _ in range(nb)],
            pltpu.VMEM_SHARED((NP, feat), jnp.float32),
            [pltpu.SemaphoreType.DMA for _ in range(nb)],
            [pltpu.SemaphoreType.DMA for _ in range(nb)],
        ],
    )
    def seg_kernel(edge_hbm, vals_hbm, out_hbm, sidx, didx, rows,
                   acc, gsems, dsems):
        c = lax.axis_index("c")
        s = lax.axis_index("s")
        wid = s * NC + c
        base = wid * EPW

        @pl.when(c == 0)
        def _():
            pltpu.sync_copy(vals_hbm.at[pl.ds(s * ZROWS, ZROWS)],
                            acc.at[pl.ds(s * ZROWS, ZROWS)])

        @pl.when(c != 0)
        def _():
            zero = jnp.zeros((16,), jnp.float32)

            def zfill(r, carry):
                for cc in range(feat // 16):
                    rows[0][r, pl.ds(cc * 16, 16)] = zero
                return carry

            lax.fori_loop(0, CW, zfill, 0)
            for kk in range(ZROWS // CW):
                pltpu.sync_copy(
                    rows[0], acc.at[pl.ds(s * ZROWS + kk * CW, CW)])

        pltpu.sync_copy(edge_hbm.at[0, pl.ds(base, EPW)], sidx)
        plsc.subcore_barrier()

        def issue(i, b):
            pltpu.async_copy(edge_hbm.at[1, pl.ds(base + i * CW, CW)],
                             didx[b], dsems[b])
            pltpu.async_copy(vals_hbm.at[sidx.at[pl.ds(i * CW, CW)]],
                             rows[b], gsems[b])

        def drain(i, b):
            pltpu.make_async_copy(
                edge_hbm.at[1, pl.ds(base + i * CW, CW)],
                didx[b], dsems[b]).wait()
            pltpu.make_async_copy(
                vals_hbm.at[sidx.at[pl.ds(i * CW, CW)]],
                rows[b], gsems[b]).wait()
            pltpu.sync_copy(rows[b], acc.at[didx[b]], add=True)

        for b in range(nb):
            issue(b, b)

        def step(j, carry):
            for b in range(nb):
                i = j * nb + b
                drain(i, b)

                @pl.when(i + nb < nstep)
                def _():
                    issue(i + nb, b)
            return carry

        lax.fori_loop(0, nstep // nb, step, 0)
        for b in range(nstep % nb):
            drain(nstep - (nstep % nb) + b, b)

        plsc.subcore_barrier()
        pltpu.sync_copy(acc.at[pl.ds(s * ZROWS, ZROWS)],
                        out_hbm.at[c, pl.ds(s * ZROWS, ZROWS)])

    return seg_kernel


_segsum16 = _make_edge_segsum(16, 5)
_segsum128 = _make_edge_segsum(H, 3)

BN = 2048
NBLK = NP // BN


def _mlp1_body(p_ref, w1a_ref, b1a_ref, w1b_ref, b1b_ref, out_ref):
    h = p_ref[0] + p_ref[1]
    a = jnp.maximum(
        jnp.dot(h, w1a_ref[...], preferred_element_type=jnp.float32)
        + b1a_ref[...], 0.0)
    o = jnp.maximum(
        jnp.dot(a, w1b_ref[...], preferred_element_type=jnp.float32)
        + b1b_ref[...], 0.0)
    out_ref[...] = o


def _mlp2_pool_body(q_ref, batch_ref, w2a_ref, b2a_ref, w2b_ref,
                    b2b_ref, wout_ref, bout_ref, out_ref, sums_ref, cnt_ref):
    i = pl.program_id(0)

    @pl.when(i == 0)
    def _():
        sums_ref[...] = jnp.zeros_like(sums_ref)
        cnt_ref[...] = jnp.zeros_like(cnt_ref)

    h = q_ref[0] + q_ref[1]
    a = jnp.maximum(
        jnp.dot(h, w2a_ref[...], preferred_element_type=jnp.float32)
        + b2a_ref[...], 0.0)
    h2 = jnp.maximum(
        jnp.dot(a, w2b_ref[...], preferred_element_type=jnp.float32)
        + b2b_ref[...], 0.0)

    b = batch_ref[0, 0, :]
    mask = (b[:, None] == lax.broadcasted_iota(jnp.int32, (BN, G), 1)
            ).astype(jnp.float32)
    sums_ref[...] += lax.dot_general(
        mask, h2, (((0,), (0,)), ((), ())),
        preferred_element_type=jnp.float32)
    cnt_ref[...] += lax.dot_general(
        mask, jnp.ones_like(h2), (((0,), (0,)), ((), ())),
        preferred_element_type=jnp.float32)

    @pl.when(i == NBLK - 1)
    def _():
        pooled = sums_ref[...] / jnp.maximum(cnt_ref[...], 1.0)
        out_ref[...] = jnp.dot(
            pooled, wout_ref[...],
            preferred_element_type=jnp.float32) + bout_ref[...]


def kernel(x, edge_index, batch, W1a, b1a, W1b, b1b, W2a, b2a, W2b, b2b,
           Wout, bout):
    f32 = jnp.float32

    x16 = jnp.zeros((NP, 16), f32).at[:N, :DIN].set(x)
    w1a16 = jnp.concatenate([W1a, jnp.zeros((16 - DIN, H), f32)], axis=0)
    batch_pad = jnp.concatenate(
        [batch, jnp.full((NP - N,), G, jnp.int32)]).reshape(NBLK, 1, BN)

    p16 = _segsum16(edge_index, x16)

    h1 = pl.pallas_call(
        _mlp1_body,
        grid=(NBLK,),
        in_specs=[
            pl.BlockSpec((NC, BN, 16), lambda i: (0, i, 0)),
            pl.BlockSpec((16, H), lambda i: (0, 0)),
            pl.BlockSpec((1, H), lambda i: (0, 0)),
            pl.BlockSpec((H, H), lambda i: (0, 0)),
            pl.BlockSpec((1, H), lambda i: (0, 0)),
        ],
        out_specs=pl.BlockSpec((BN, H), lambda i: (i, 0)),
        out_shape=jax.ShapeDtypeStruct((NP, H), f32),
    )(p16, w1a16, b1a.reshape(1, H), W1b, b1b.reshape(1, H))

    q = _segsum128(edge_index, h1)

    out = pl.pallas_call(
        _mlp2_pool_body,
        grid=(NBLK,),
        in_specs=[
            pl.BlockSpec((NC, BN, H), lambda i: (0, i, 0)),
            pl.BlockSpec((1, 1, BN), lambda i: (i, 0, 0)),
            pl.BlockSpec((H, H), lambda i: (0, 0)),
            pl.BlockSpec((1, H), lambda i: (0, 0)),
            pl.BlockSpec((H, H), lambda i: (0, 0)),
            pl.BlockSpec((1, H), lambda i: (0, 0)),
            pl.BlockSpec((H, H), lambda i: (0, 0)),
            pl.BlockSpec((1, H), lambda i: (0, 0)),
        ],
        out_specs=pl.BlockSpec((G, H), lambda i: (0, 0)),
        out_shape=jax.ShapeDtypeStruct((G, H), f32),
        scratch_shapes=[
            pltpu.VMEM((G, H), f32),
            pltpu.VMEM((G, H), f32),
        ],
    )(q, batch_pad, W2a, b2a.reshape(1, H), W2b, b2b.reshape(1, H),
      Wout, bout.reshape(1, H))

    return out

# --- scband reference (transcript-rebuilt; emitter-appended) ---
"""Pipeline reference for scband-ligand-gcn-48249662603679 (READ-ONLY COPY).

The authoritative reference and input builder live on the scoring server;
editing this copy changes nothing except your own understanding.
"""

import jax, jax.numpy as jnp
import numpy as np

N = 10000
E = 320000
DIN = 14
H = 128
G = 256

def setup_inputs(seed: int = 0) -> dict:
    key = jax.random.key(seed)
    ks = jax.random.split(key, 16)
    x = jax.random.normal(ks[0], (N, DIN), dtype=jnp.float32)
    edge_index = jax.random.randint(ks[1], (2, E), 0, N, dtype=jnp.int32)
    batch = jnp.sort(jax.random.randint(ks[2], (N,), 0, G, dtype=jnp.int32))
    def w(k, shape):
        return jax.random.normal(k, shape, dtype=jnp.float32) * 0.1
    params = {
        'W1a': w(ks[3], (DIN, H)), 'b1a': jnp.zeros((H,), jnp.float32),
        'W1b': w(ks[4], (H, H)),   'b1b': jnp.zeros((H,), jnp.float32),
        'W2a': w(ks[5], (H, H)),   'b2a': jnp.zeros((H,), jnp.float32),
        'W2b': w(ks[6], (H, H)),   'b2b': jnp.zeros((H,), jnp.float32),
        'Wout': w(ks[7], (H, H)),  'bout': jnp.zeros((H,), jnp.float32),
    }
    return {'x': x, 'edge_index': edge_index, 'batch': batch, **params}

def reference(x, edge_index, batch, W1a, b1a, W1b, b1b, W2a, b2a, W2b, b2b, Wout, bout):
    src = edge_index[0]
    dst = edge_index[1]
    # GINConv 1: h_i = MLP1((1+eps)*x_i + sum_{j->i} x_j), eps=0
    agg = jax.ops.segment_sum(x[src], dst, num_segments=N)
    h = x + agg
    h = jnp.maximum(h @ W1a + b1a, 0.0) @ W1b + b1b
    h = jnp.maximum(h, 0.0)  # relu after conv1
    # GINConv 2
    agg2 = jax.ops.segment_sum(h[src], dst, num_segments=N)
    h = h + agg2
    h = jnp.maximum(h @ W2a + b2a, 0.0) @ W2b + b2b
    h = jnp.maximum(h, 0.0)  # relu after conv2
    # global mean pool over graphs
    sums = jax.ops.segment_sum(h, batch, num_segments=G)
    counts = jax.ops.segment_sum(jnp.ones((N, 1), jnp.float32), batch, num_segments=G)
    pooled = sums / jnp.maximum(counts, 1.0)
    # dropout is identity in eval mode
    return pooled @ Wout + bout

if __name__ == "__main__":
    import jax
    _d = setup_inputs()
    print(jax.jit(kernel)(*tuple(_d.values())))

</pallas_src>

<mosaic_0001>
#map = affine_map<(d0, d1) -> (0, 0)>
#map1 = affine_map<(d0, d1) -> (0, 0, 0)>
module attributes {stable_mosaic.version = 14 : i64} {
  func.func @seg_kernel(%arg0: i32, %arg1: i32, %arg2: memref<2x320000xi32, #tpu.memory_space<hbm>>, %arg3: memref<10240x16xf32, #tpu.memory_space<hbm>>, %arg4: memref<2x10240x16xf32, #tpu.memory_space<hbm>>, %arg5: memref<10000xi32, #tpu.memory_space<vmem>>, %arg6: memref<80xi32, #tpu.memory_space<vmem>>, %arg7: memref<80xi32, #tpu.memory_space<vmem>>, %arg8: memref<80xi32, #tpu.memory_space<vmem>>, %arg9: memref<80xi32, #tpu.memory_space<vmem>>, %arg10: memref<80xi32, #tpu.memory_space<vmem>>, %arg11: memref<80x16xf32, #tpu.memory_space<vmem>>, %arg12: memref<80x16xf32, #tpu.memory_space<vmem>>, %arg13: memref<80x16xf32, #tpu.memory_space<vmem>>, %arg14: memref<80x16xf32, #tpu.memory_space<vmem>>, %arg15: memref<80x16xf32, #tpu.memory_space<vmem>>, %arg16: memref<10240x16xf32, #tpu.memory_space<vmem_shared>>, %arg17: memref<!tpu.dma_semaphore, #tpu.memory_space<semaphore_mem>>, %arg18: memref<!tpu.dma_semaphore, #tpu.memory_space<semaphore_mem>>, %arg19: memref<!tpu.dma_semaphore, #tpu.memory_space<semaphore_mem>>, %arg20: memref<!tpu.dma_semaphore, #tpu.memory_space<semaphore_mem>>, %arg21: memref<!tpu.dma_semaphore, #tpu.memory_space<semaphore_mem>>, %arg22: memref<!tpu.dma_semaphore, #tpu.memory_space<semaphore_mem>>, %arg23: memref<!tpu.dma_semaphore, #tpu.memory_space<semaphore_mem>>, %arg24: memref<!tpu.dma_semaphore, #tpu.memory_space<semaphore_mem>>, %arg25: memref<!tpu.dma_semaphore, #tpu.memory_space<semaphore_mem>>, %arg26: memref<!tpu.dma_semaphore, #tpu.memory_space<semaphore_mem>>) attributes {dimension_semantics = [#tpu.dimension_semantics<core_parallel>, #tpu.dimension_semantics<subcore_parallel>], iteration_bounds = array<i64: 2, 16>, scalar_prefetch = 0 : i64, scratch_operands = 22 : i64, tpu.core_type = #tpu.core_type<sc_vector_subcore>, window_params = [{transform_indices = #map}, {transform_indices = #map}, {transform_indices = #map1}]} {
    %mul3A = arith.constant 2 : i32
    %mul3A_0 = arith.muli %arg1, %mul3A : i32
    %add3A = arith.addi %mul3A_0, %arg0 : i32
    %mul3A_1 = arith.constant 10000 : i32
    %mul3A_2 = arith.muli %add3A, %mul3A_1 : i32
    %eq3A = arith.constant 0 : i32
    %eq3A_3 = arith.cmpi eq, %arg0, %eq3A : i32
    %convert_element_type3A = arith.extui %eq3A_3 : i1 to i32
    %cond3A = arith.constant 0 : i32
    %cond3A_4 = arith.cmpi ne, %convert_element_type3A, %cond3A : i32
    scf.if %cond3A_4 {
      %mul3A_78 = arith.constant 640 : i32
      %mul3A_79 = arith.muli %arg1, %mul3A_78 : i32
      %mul3A_80 = arith.constant 640 : i32
      %mul3A_81 = arith.muli %arg1, %mul3A_80 : i32
      "tpu.region"() ({
        %run_scoped3A_82 = tpu.sem_alloc : memref<!tpu.dma_semaphore, #tpu.memory_space<semaphore_mem>>
        %dma_start3A_83 = arith.constant 0 : i32
        %dma_start3A_84 = tpu.memref_slice %arg16[%mul3A_81, %dma_start3A_83] : memref<10240x16xf32, #tpu.memory_space<vmem_shared>> -> memref<640x16xf32, #tpu.memory_space<vmem_shared>>
        %dma_start3A_85 = arith.constant 0 : i32
        %dma_start3A_86 = tpu.memref_slice %arg3[%mul3A_79, %dma_start3A_85] : memref<10240x16xf32, #tpu.memory_space<hbm>> -> memref<640x16xf32, #tpu.memory_space<hbm>>
        tpu.enqueue_dma source(%dma_start3A_86 : memref<640x16xf32, #tpu.memory_space<hbm>>) target(%dma_start3A_84 : memref<640x16xf32, #tpu.memory_space<vmem_shared>>) target_semaphore(%run_scoped3A_82 : memref<!tpu.dma_semaphore, #tpu.memory_space<semaphore_mem>>)
        %dma_wait3A = arith.constant 0 : i32
        %dma_wait3A_87 = tpu.memref_slice %arg16[%mul3A_81, %dma_wait3A] : memref<10240x16xf32, #tpu.memory_space<vmem_shared>> -> memref<640x16xf32, #tpu.memory_space<vmem_shared>>
        %dma_wait3A_88 = arith.constant 0 : i32
        %dma_wait3A_89 = tpu.memref_slice %arg3[%mul3A_79, %dma_wait3A_88] : memref<10240x16xf32, #tpu.memory_space<hbm>> -> memref<640x16xf32, #tpu.memory_space<hbm>>
        tpu.wait_dma2 semaphore(%run_scoped3A_82 : memref<!tpu.dma_semaphore, #tpu.memory_space<semaphore_mem>>) src(%dma_wait3A_89 : memref<640x16xf32, #tpu.memory_space<hbm>>) dst(%dma_wait3A_87 : memref<640x16xf32, #tpu.memory_space<vmem_shared>>)
        tpu.yield
      }) : () -> ()
    } else {
    }
    %ne3A = arith.constant 0 : i32
    %ne3A_5 = arith.cmpi ne, %arg0, %ne3A : i32
    %convert_element_type3A_6 = arith.extui %ne3A_5 : i1 to i32
    %cond3A_7 = arith.constant 0 : i32
    %cond3A_8 = arith.cmpi ne, %convert_element_type3A_6, %cond3A_7 : i32
    scf.if %cond3A_8 {
      %broadcast_in_dim3A = arith.constant 0.000000e+00 : f32
      %broadcast_in_dim3A_78 = vector.broadcast %broadcast_in_dim3A : f32 to vector<16xf32>
      %scan3A_79 = arith.constant 0 : i32
      %scan3A_80 = arith.constant 0 : i32
      %scan3A_81 = arith.constant 80 : i32
      %scan3A_82 = arith.addi %scan3A_80, %scan3A_81 : i32
      %scan3A_83 = arith.constant 1 : i32
      scf.for %scan3A_117 = %scan3A_80 to %scan3A_82 step %scan3A_83  : i32 {
        %swap3A = arith.index_cast %scan3A_117 : i32 to index
        %swap3A_118 = arith.constant 0 : index
        %swap3A_119 = tpu.vector_load %arg11[%swap3A, %swap3A_118] {strides = array<i32>} : memref<80x16xf32, #tpu.memory_space<vmem>>, vector<1x16xf32>,
        %swap3A_120 = vector.shape_cast %swap3A_119 : vector<1x16xf32> to vector<16xf32>
        %swap3A_121 = vector.shape_cast %broadcast_in_dim3A_78 : vector<16xf32> to vector<1x16xf32>
        tpu.vector_store %arg11[%swap3A, %swap3A_118], %swap3A_121 {strides = array<i32>} : memref<80x16xf32, #tpu.memory_space<vmem>>, vector<1x16xf32>,
      }
      %scan3A_84 = arith.constant 80 : i32
      %mul3A_85 = arith.constant 640 : i32
      %mul3A_86 = arith.muli %arg1, %mul3A_85 : i32
      %add3A_87 = arith.constant 0 : i32
      %add3A_88 = arith.addi %mul3A_86, %add3A_87 : i32
      "tpu.region"() ({
        %run_scoped3A_117 = tpu.sem_alloc : memref<!tpu.dma_semaphore, #tpu.memory_space<semaphore_mem>>
        %dma_start3A_118 = arith.constant 0 : i32
        %dma_start3A_119 = tpu.memref_slice %arg16[%add3A_88, %dma_start3A_118] : memref<10240x16xf32, #tpu.memory_space<vmem_shared>> -> memref<80x16xf32, #tpu.memory_space<vmem_shared>>
        %dma_start3A_120 = arith.constant 0 : i32
        %dma_start3A_121 = tpu.memref_slice %arg16[%add3A_88, %dma_start3A_120] : memref<10240x16xf32, #tpu.memory_space<vmem_shared>> -> memref<80x16xf32, #tpu.memory_space<vmem_shared>>
        tpu.enqueue_dma source(%arg11 : memref<80x16xf32, #tpu.memory_space<vmem>>) target(%dma_start3A_121 : memref<80x16xf32, #tpu.memory_space<vmem_shared>>) target_semaphore(%run_scoped3A_117 : memref<!tpu.dma_semaphore, #tpu.memory_space<semaphore_mem>>)
        %dma_wait3A = arith.constant 0 : i32
        %dma_wait3A_122 = tpu.memref_slice %arg16[%add3A_88, %dma_wait3A] : memref<10240x16xf32, #tpu.memory_space<vmem_shared>> -> memref<80x16xf32, #tpu.memory_space<vmem_shared>>
        %dma_wait3A_123 = arith.constant 0 : i32
        %dma_wait3A_124 = tpu.memref_slice %arg16[%add3A_88, %dma_wait3A_123] : memref<10240x16xf32, #tpu.memory_space<vmem_shared>> -> memref<80x16xf32, #tpu.memory_space<vmem_shared>>
        tpu.wait_dma2 semaphore(%run_scoped3A_117 : memref<!tpu.dma_semaphore, #tpu.memory_space<semaphore_mem>>) src(%arg11 : memref<80x16xf32, #tpu.memory_space<vmem>>) dst(%dma_wait3A_124 : memref<80x16xf32, #tpu.memory_space<vmem_shared>>)
        tpu.yield
      }) : () -> ()
      %mul3A_89 = arith.constant 640 : i32
      %mul3A_90 = arith.muli %arg1, %mul3A_89 : i32
      %add3A_91 = arith.constant 80 : i32
      %add3A_92 = arith.addi %mul3A_90, %add3A_91 : i32
      "tpu.region"() ({
        %run_scoped3A_117 = tpu.sem_alloc : memref<!tpu.dma_semaphore, #tpu.memory_space<semaphore_mem>>
        %dma_start3A_118 = arith.constant 0 : i32
        %dma_start3A_119 = tpu.memref_slice %arg16[%add3A_92, %dma_start3A_118] : memref<10240x16xf32, #tpu.memory_space<vmem_shared>> -> memref<80x16xf32, #tpu.memory_space<vmem_shared>>
        %dma_start3A_120 = arith.constant 0 : i32
        %dma_start3A_121 = tpu.memref_slice %arg16[%add3A_92, %dma_start3A_120] : memref<10240x16xf32, #tpu.memory_space<vmem_shared>> -> memref<80x16xf32, #tpu.memory_space<vmem_shared>>
        tpu.enqueue_dma source(%arg11 : memref<80x16xf32, #tpu.memory_space<vmem>>) target(%dma_start3A_121 : memref<80x16xf32, #tpu.memory_space<vmem_shared>>) target_semaphore(%run_scoped3A_117 : memref<!tpu.dma_semaphore, #tpu.memory_space<semaphore_mem>>)
        %dma_wait3A = arith.constant 0 : i32
        %dma_wait3A_122 = tpu.memref_slice %arg16[%add3A_92, %dma_wait3A] : memref<10240x16xf32, #tpu.memory_space<vmem_shared>> -> memref<80x16xf32, #tpu.memory_space<vmem_shared>>
        %dma_wait3A_123 = arith.constant 0 : i32
        %dma_wait3A_124 = tpu.memref_slice %arg16[%add3A_92, %dma_wait3A_123] : memref<10240x16xf32, #tpu.memory_space<vmem_shared>> -> memref<80x16xf32, #tpu.memory_space<vmem_shared>>
        tpu.wait_dma2 semaphore(%run_scoped3A_117 : memref<!tpu.dma_semaphore, #tpu.memory_space<semaphore_mem>>) src(%arg11 : memref<80x16xf32, #tpu.memory_space<vmem>>) dst(%dma_wait3A_124 : memref<80x16xf32, #tpu.memory_space<vmem_shared>>)
        tpu.yield
      }) : () -> ()
      %mul3A_93 = arith.constant 640 : i32
      %mul3A_94 = arith.muli %arg1, %mul3A_93 : i32
      %add3A_95 = arith.constant 160 : i32
      %add3A_96 = arith.addi %mul3A_94, %add3A_95 : i32
      "tpu.region"() ({
        %run_scoped3A_117 = tpu.sem_alloc : memref<!tpu.dma_semaphore, #tpu.memory_space<semaphore_mem>>
        %dma_start3A_118 = arith.constant 0 : i32
        %dma_start3A_119 = tpu.memref_slice %arg16[%add3A_96, %dma_start3A_118] : memref<10240x16xf32, #tpu.memory_space<vmem_shared>> -> memref<80x16xf32, #tpu.memory_space<vmem_shared>>
        %dma_start3A_120 = arith.constant 0 : i32
        %dma_start3A_121 = tpu.memref_slice %arg16[%add3A_96, %dma_start3A_120] : memref<10240x16xf32, #tpu.memory_space<vmem_shared>> -> memref<80x16xf32, #tpu.memory_space<vmem_shared>>
        tpu.enqueue_dma source(%arg11 : memref<80x16xf32, #tpu.memory_space<vmem>>) target(%dma_start3A_121 : memref<80x16xf32, #tpu.memory_space<vmem_shared>>) target_semaphore(%run_scoped3A_117 : memref<!tpu.dma_semaphore, #tpu.memory_space<semaphore_mem>>)
        %dma_wait3A = arith.constant 0 : i32
        %dma_wait3A_122 = tpu.memref_slice %arg16[%add3A_96, %dma_wait3A] : memref<10240x16xf32, #tpu.memory_space<vmem_shared>> -> memref<80x16xf32, #tpu.memory_space<vmem_shared>>
        %dma_wait3A_123 = arith.constant 0 : i32
        %dma_wait3A_124 = tpu.memref_slice %arg16[%add3A_96, %dma_wait3A_123] : memref<10240x16xf32, #tpu.memory_space<vmem_shared>> -> memref<80x16xf32, #tpu.memory_space<vmem_shared>>
        tpu.wait_dma2 semaphore(%run_scoped3A_117 : memref<!tpu.dma_semaphore, #tpu.memory_space<semaphore_mem>>) src(%arg11 : memref<80x16xf32, #tpu.memory_space<vmem>>) dst(%dma_wait3A_124 : memref<80x16xf32, #tpu.memory_space<vmem_shared>>)
        tpu.yield
      }) : () -> ()
      %mul3A_97 = arith.constant 640 : i32
      %mul3A_98 = arith.muli %arg1, %mul3A_97 : i32
      %add3A_99 = arith.constant 240 : i32
      %add3A_100 = arith.addi %mul3A_98, %add3A_99 : i32
      "tpu.region"() ({
        %run_scoped3A_117 = tpu.sem_alloc : memref<!tpu.dma_semaphore, #tpu.memory_space<semaphore_mem>>
        %dma_start3A_118 = arith.constant 0 : i32
        %dma_start3A_119 = tpu.memref_slice %arg16[%add3A_100, %dma_start3A_118] : memref<10240x16xf32, #tpu.memory_space<vmem_shared>> -> memref<80x16xf32, #tpu.memory_space<vmem_shared>>
        %dma_start3A_120 = arith.constant 0 : i32
        %dma_start3A_121 = tpu.memref_slice %arg16[%add3A_100, %dma_start3A_120] : memref<10240x16xf32, #tpu.memory_space<vmem_shared>> -> memref<80x16xf32, #tpu.memory_space<vmem_shared>>
        tpu.enqueue_dma source(%arg11 : memref<80x16xf32, #tpu.memory_space<vmem>>) target(%dma_start3A_121 : memref<80x16xf32, #tpu.memory_space<vmem_shared>>) target_semaphore(%run_scoped3A_117 : memref<!tpu.dma_semaphore, #tpu.memory_space<semaphore_mem>>)
        %dma_wait3A = arith.constant 0 : i32
        %dma_wait3A_122 = tpu.memref_slice %arg16[%add3A_100, %dma_wait3A] : memref<10240x16xf32, #tpu.memory_space<vmem_shared>> -> memref<80x16xf32, #tpu.memory_space<vmem_shared>>
        %dma_wait3A_123 = arith.constant 0 : i32
        %dma_wait3A_124 = tpu.memref_slice %arg16[%add3A_100, %dma_wait3A_123] : memref<10240x16xf32, #tpu.memory_space<vmem_shared>> -> memref<80x16xf32, #tpu.memory_space<vmem_shared>>
        tpu.wait_dma2 semaphore(%run_scoped3A_117 : memref<!tpu.dma_semaphore, #tpu.memory_space<semaphore_mem>>) src(%arg11 : memref<80x16xf32, #tpu.memory_space<vmem>>) dst(%dma_wait3A_124 : memref<80x16xf32, #tpu.memory_space<vmem_shared>>)
        tpu.yield
      }) : () -> ()
      %mul3A_101 = arith.constant 640 : i32
      %mul3A_102 = arith.muli %arg1, %mul3A_101 : i32
      %add3A_103 = arith.constant 320 : i32
      %add3A_104 = arith.addi %mul3A_102, %add3A_103 : i32
      "tpu.region"() ({
        %run_scoped3A_117 = tpu.sem_alloc : memref<!tpu.dma_semaphore, #tpu.memory_space<semaphore_mem>>
        %dma_start3A_118 = arith.constant 0 : i32
        %dma_start3A_119 = tpu.memref_slice %arg16[%add3A_104, %dma_start3A_118] : memref<10240x16xf32, #tpu.memory_space<vmem_shared>> -> memref<80x16xf32, #tpu.memory_space<vmem_shared>>
        %dma_start3A_120 = arith.constant 0 : i32
        %dma_start3A_121 = tpu.memref_slice %arg16[%add3A_104, %dma_start3A_120] : memref<10240x16xf32, #tpu.memory_space<vmem_shared>> -> memref<80x16xf32, #tpu.memory_space<vmem_shared>>
        tpu.enqueue_dma source(%arg11 : memref<80x16xf32, #tpu.memory_space<vmem>>) target(%dma_start3A_121 : memref<80x16xf32, #tpu.memory_space<vmem_shared>>) target_semaphore(%run_scoped3A_117 : memref<!tpu.dma_semaphore, #tpu.memory_space<semaphore_mem>>)
        %dma_wait3A = arith.constant 0 : i32
        %dma_wait3A_122 = tpu.memref_slice %arg16[%add3A_104, %dma_wait3A] : memref<10240x16xf32, #tpu.memory_space<vmem_shared>> -> memref<80x16xf32, #tpu.memory_space<vmem_shared>>
        %dma_wait3A_123 = arith.constant 0 : i32
        %dma_wait3A_124 = tpu.memref_slice %arg16[%add3A_104, %dma_wait3A_123] : memref<10240x16xf32, #tpu.memory_space<vmem_shared>> -> memref<80x16xf32, #tpu.memory_space<vmem_shared>>
        tpu.wait_dma2 semaphore(%run_scoped3A_117 : memref<!tpu.dma_semaphore, #tpu.memory_space<semaphore_mem>>) src(%arg11 : memref<80x16xf32, #tpu.memory_space<vmem>>) dst(%dma_wait3A_124 : memref<80x16xf32, #tpu.memory_space<vmem_shared>>)
        tpu.yield
      }) : () -> ()
      %mul3A_105 = arith.constant 640 : i32
      %mul3A_106 = arith.muli %arg1, %mul3A_105 : i32
      %add3A_107 = arith.constant 400 : i32
      %add3A_108 = arith.addi %mul3A_106, %add3A_107 : i32
      "tpu.region"() ({
        %run_scoped3A_117 = tpu.sem_alloc : memref<!tpu.dma_semaphore, #tpu.memory_space<semaphore_mem>>
        %dma_start3A_118 = arith.constant 0 : i32
        %dma_start3A_119 = tpu.memref_slice %arg16[%add3A_108, %dma_start3A_118] : memref<10240x16xf32, #tpu.memory_space<vmem_shared>> -> memref<80x16xf32, #tpu.memory_space<vmem_shared>>
        %dma_start3A_120 = arith.constant 0 : i32
        %dma_start3A_121 = tpu.memref_slice %arg16[%add3A_108, %dma_start3A_120] : memref<10240x16xf32, #tpu.memory_space<vmem_shared>> -> memref<80x16xf32, #tpu.memory_space<vmem_shared>>
        tpu.enqueue_dma source(%arg11 : memref<80x16xf32, #tpu.memory_space<vmem>>) target(%dma_start3A_121 : memref<80x16xf32, #tpu.memory_space<vmem_shared>>) target_semaphore(%run_scoped3A_117 : memref<!tpu.dma_semaphore, #tpu.memory_space<semaphore_mem>>)
        %dma_wait3A = arith.constant 0 : i32
        %dma_wait3A_122 = tpu.memref_slice %arg16[%add3A_108, %dma_wait3A] : memref<10240x16xf32, #tpu.memory_space<vmem_shared>> -> memref<80x16xf32, #tpu.memory_space<vmem_shared>>
        %dma_wait3A_123 = arith.constant 0 : i32
        %dma_wait3A_124 = tpu.memref_slice %arg16[%add3A_108, %dma_wait3A_123] : memref<10240x16xf32, #tpu.memory_space<vmem_shared>> -> memref<80x16xf32, #tpu.memory_space<vmem_shared>>
        tpu.wait_dma2 semaphore(%run_scoped3A_117 : memref<!tpu.dma_semaphore, #tpu.memory_space<semaphore_mem>>) src(%arg11 : memref<80x16xf32, #tpu.memory_space<vmem>>) dst(%dma_wait3A_124 : memref<80x16xf32, #tpu.memory_space<vmem_shared>>)
        tpu.yield
      }) : () -> ()
      %mul3A_109 = arith.constant 640 : i32
      %mul3A_110 = arith.muli %arg1, %mul3A_109 : i32
      %add3A_111 = arith.constant 480 : i32
      %add3A_112 = arith.addi %mul3A_110, %add3A_111 : i32
      "tpu.region"() ({
        %run_scoped3A_117 = tpu.sem_alloc : memref<!tpu.dma_semaphore, #tpu.memory_space<semaphore_mem>>
        %dma_start3A_118 = arith.constant 0 : i32
        %dma_start3A_119 = tpu.memref_slice %arg16[%add3A_112, %dma_start3A_118] : memref<10240x16xf32, #tpu.memory_space<vmem_shared>> -> memref<80x16xf32, #tpu.memory_space<vmem_shared>>
        %dma_start3A_120 = arith.constant 0 : i32
        %dma_start3A_121 = tpu.memref_slice %arg16[%add3A_112, %dma_start3A_120] : memref<10240x16xf32, #tpu.memory_space<vmem_shared>> -> memref<80x16xf32, #tpu.memory_space<vmem_shared>>
        tpu.enqueue_dma source(%arg11 : memref<80x16xf32, #tpu.memory_space<vmem>>) target(%dma_start3A_121 : memref<80x16xf32, #tpu.memory_space<vmem_shared>>) target_semaphore(%run_scoped3A_117 : memref<!tpu.dma_semaphore, #tpu.memory_space<semaphore_mem>>)
        %dma_wait3A = arith.constant 0 : i32
        %dma_wait3A_122 = tpu.memref_slice %arg16[%add3A_112, %dma_wait3A] : memref<10240x16xf32, #tpu.memory_space<vmem_shared>> -> memref<80x16xf32, #tpu.memory_space<vmem_shared>>
        %dma_wait3A_123 = arith.constant 0 : i32
        %dma_wait3A_124 = tpu.memref_slice %arg16[%add3A_112, %dma_wait3A_123] : memref<10240x16xf32, #tpu.memory_space<vmem_shared>> -> memref<80x16xf32, #tpu.memory_space<vmem_shared>>
        tpu.wait_dma2 semaphore(%run_scoped3A_117 : memref<!tpu.dma_semaphore, #tpu.memory_space<semaphore_mem>>) src(%arg11 : memref<80x16xf32, #tpu.memory_space<vmem>>) dst(%dma_wait3A_124 : memref<80x16xf32, #tpu.memory_space<vmem_shared>>)
        tpu.yield
      }) : () -> ()
      %mul3A_113 = arith.constant 640 : i32
      %mul3A_114 = arith.muli %arg1, %mul3A_113 : i32
      %add3A_115 = arith.constant 560 : i32
      %add3A_116 = arith.addi %mul3A_114, %add3A_115 : i32
      "tpu.region"() ({
        %run_scoped3A_117 = tpu.sem_alloc : memref<!tpu.dma_semaphore, #tpu.memory_space<semaphore_mem>>
        %dma_start3A_118 = arith.constant 0 : i32
        %dma_start3A_119 = tpu.memref_slice %arg16[%add3A_116, %dma_start3A_118] : memref<10240x16xf32, #tpu.memory_space<vmem_shared>> -> memref<80x16xf32, #tpu.memory_space<vmem_shared>>
        %dma_start3A_120 = arith.constant 0 : i32
        %dma_start3A_121 = tpu.memref_slice %arg16[%add3A_116, %dma_start3A_120] : memref<10240x16xf32, #tpu.memory_space<vmem_shared>> -> memref<80x16xf32, #tpu.memory_space<vmem_shared>>
        tpu.enqueue_dma source(%arg11 : memref<80x16xf32, #tpu.memory_space<vmem>>) target(%dma_start3A_121 : memref<80x16xf32, #tpu.memory_space<vmem_shared>>) target_semaphore(%run_scoped3A_117 : memref<!tpu.dma_semaphore, #tpu.memory_space<semaphore_mem>>)
        %dma_wait3A = arith.constant 0 : i32
        %dma_wait3A_122 = tpu.memref_slice %arg16[%add3A_116, %dma_wait3A] : memref<10240x16xf32, #tpu.memory_space<vmem_shared>> -> memref<80x16xf32, #tpu.memory_space<vmem_shared>>
        %dma_wait3A_123 = arith.constant 0 : i32
        %dma_wait3A_124 = tpu.memref_slice %arg16[%add3A_116, %dma_wait3A_123] : memref<10240x16xf32, #tpu.memory_space<vmem_shared>> -> memref<80x16xf32, #tpu.memory_space<vmem_shared>>
        tpu.wait_dma2 semaphore(%run_scoped3A_117 : memref<!tpu.dma_semaphore, #tpu.memory_space<semaphore_mem>>) src(%arg11 : memref<80x16xf32, #tpu.memory_space<vmem>>) dst(%dma_wait3A_124 : memref<80x16xf32, #tpu.memory_space<vmem_shared>>)
        tpu.yield
      }) : () -> ()
    } else {
    }
    %run_scoped3A = arith.constant 0 : i32
    "tpu.region"() ({
      %run_scoped3A_78 = tpu.sem_alloc : memref<!tpu.dma_semaphore, #tpu.memory_space<semaphore_mem>>
      %dma_start3A_79 = tpu.memref_slice %arg2[%run_scoped3A, %mul3A_2] : memref<2x320000xi32, #tpu.memory_space<hbm>> -> memref<1x10000xi32, #tpu.memory_space<hbm>>
      %dma_start3A_80 = tpu.memref_squeeze %dma_start3A_79 : memref<1x10000xi32, #tpu.memory_space<hbm>> -> memref<10000xi32, #tpu.memory_space<hbm>>
      %dma_start3A_81 = tpu.memref_slice %arg2[%run_scoped3A, %mul3A_2] : memref<2x320000xi32, #tpu.memory_space<hbm>> -> memref<1x10000xi32, #tpu.memory_space<hbm>>
      %dma_start3A_82 = tpu.memref_squeeze %dma_start3A_81 : memref<1x10000xi32, #tpu.memory_space<hbm>> -> memref<10000xi32, #tpu.memory_space<hbm>>
      tpu.enqueue_dma source(%dma_start3A_82 : memref<10000xi32, #tpu.memory_space<hbm>>) target(%arg5 : memref<10000xi32, #tpu.memory_space<vmem>>) target_semaphore(%run_scoped3A_78 : memref<!tpu.dma_semaphore, #tpu.memory_space<semaphore_mem>>)
      %dma_wait3A = tpu.memref_slice %arg2[%run_scoped3A, %mul3A_2] : memref<2x320000xi32, #tpu.memory_space<hbm>> -> memref<1x10000xi32, #tpu.memory_space<hbm>>
      %dma_wait3A_83 = tpu.memref_squeeze %dma_wait3A : memref<1x10000xi32, #tpu.memory_space<hbm>> -> memref<10000xi32, #tpu.memory_space<hbm>>
      %dma_wait3A_84 = tpu.memref_slice %arg2[%run_scoped3A, %mul3A_2] : memref<2x320000xi32, #tpu.memory_space<hbm>> -> memref<1x10000xi32, #tpu.memory_space<hbm>>
      %dma_wait3A_85 = tpu.memref_squeeze %dma_wait3A_84 : memref<1x10000xi32, #tpu.memory_space<hbm>> -> memref<10000xi32, #tpu.memory_space<hbm>>
      tpu.wait_dma2 semaphore(%run_scoped3A_78 : memref<!tpu.dma_semaphore, #tpu.memory_space<semaphore_mem>>) src(%dma_wait3A_85 : memref<10000xi32, #tpu.memory_space<hbm>>) dst(%arg5 : memref<10000xi32, #tpu.memory_space<vmem>>)
      tpu.yield
    }) : () -> ()
    %barrier3A = arith.constant 0 : index
    tpu.barrier barrier_id(%barrier3A)
    %add3A_9 = arith.constant 0 : i32
    %add3A_10 = arith.addi %mul3A_2, %add3A_9 : i32
    %dma_start3A = arith.constant 1 : i32
    %dma_start3A_11 = tpu.memref_slice %arg2[%dma_start3A, %add3A_10] : memref<2x320000xi32, #tpu.memory_space<hbm>> -> memref<1x80xi32, #tpu.memory_space<hbm>>
    %dma_start3A_12 = tpu.memref_squeeze %dma_start3A_11 : memref<1x80xi32, #tpu.memory_space<hbm>> -> memref<80xi32, #tpu.memory_space<hbm>>
    %dma_start3A_13 = tpu.memref_slice %arg2[%dma_start3A, %add3A_10] : memref<2x320000xi32, #tpu.memory_space<hbm>> -> memref<1x80xi32, #tpu.memory_space<hbm>>
    %dma_start3A_14 = tpu.memref_squeeze %dma_start3A_13 : memref<1x80xi32, #tpu.memory_space<hbm>> -> memref<80xi32, #tpu.memory_space<hbm>>
    tpu.enqueue_dma source(%dma_start3A_14 : memref<80xi32, #tpu.memory_space<hbm>>) target(%arg6 : memref<80xi32, #tpu.memory_space<vmem>>) target_semaphore(%arg22 : memref<!tpu.dma_semaphore, #tpu.memory_space<semaphore_mem>>)
    %dma_start3A_15 = arith.constant 0 : i32
    %dma_start3A_16 = tpu.memref_slice %arg5[%dma_start3A_15] : memref<10000xi32, #tpu.memory_space<vmem>> -> memref<80xi32, #tpu.memory_space<vmem>>
    %dma_start3A_17 = arith.constant 0 : i32
    %dma_start3A_18 = arith.constant 0 : i32
    %dma_start3A_19 = tpu.memref_slice %arg3[%dma_start3A_17, %dma_start3A_18] : memref<10240x16xf32, #tpu.memory_space<hbm>> -> memref<10240x16xf32, #tpu.memory_space<hbm>>
    tpu.enqueue_indirect_dma source(%dma_start3A_19 : memref<10240x16xf32, #tpu.memory_space<hbm>>) target(%arg11 : memref<80x16xf32, #tpu.memory_space<vmem>>) offsets(%dma_start3A_16 : memref<80xi32, #tpu.memory_space<vmem>>) semaphore(%arg17 : memref<!tpu.dma_semaphore, #tpu.memory_space<semaphore_mem>>)
    %add3A_20 = arith.constant 80 : i32
    %add3A_21 = arith.addi %mul3A_2, %add3A_20 : i32
    %dma_start3A_22 = arith.constant 1 : i32
    %dma_start3A_23 = tpu.memref_slice %arg2[%dma_start3A_22, %add3A_21] : memref<2x320000xi32, #tpu.memory_space<hbm>> -> memref<1x80xi32, #tpu.memory_space<hbm>>
    %dma_start3A_24 = tpu.memref_squeeze %dma_start3A_23 : memref<1x80xi32, #tpu.memory_space<hbm>> -> memref<80xi32, #tpu.memory_space<hbm>>
    %dma_start3A_25 = tpu.memref_slice %arg2[%dma_start3A_22, %add3A_21] : memref<2x320000xi32, #tpu.memory_space<hbm>> -> memref<1x80xi32, #tpu.memory_space<hbm>>
    %dma_start3A_26 = tpu.memref_squeeze %dma_start3A_25 : memref<1x80xi32, #tpu.memory_space<hbm>> -> memref<80xi32, #tpu.memory_space<hbm>>
    tpu.enqueue_dma source(%dma_start3A_26 : memref<80xi32, #tpu.memory_space<hbm>>) target(%arg7 : memref<80xi32, #tpu.memory_space<vmem>>) target_semaphore(%arg23 : memref<!tpu.dma_semaphore, #tpu.memory_space<semaphore_mem>>)
    %dma_start3A_27 = arith.constant 80 : i32
    %dma_start3A_28 = tpu.memref_slice %arg5[%dma_start3A_27] : memref<10000xi32, #tpu.memory_space<vmem>> -> memref<80xi32, #tpu.memory_space<vmem>>
    %dma_start3A_29 = arith.constant 0 : i32
    %dma_start3A_30 = arith.constant 0 : i32
    %dma_start3A_31 = tpu.memref_slice %arg3[%dma_start3A_29, %dma_start3A_30] : memref<10240x16xf32, #tpu.memory_space<hbm>> -> memref<10240x16xf32, #tpu.memory_space<hbm>>
    tpu.enqueue_indirect_dma source(%dma_start3A_31 : memref<10240x16xf32, #tpu.memory_space<hbm>>) target(%arg12 : memref<80x16xf32, #tpu.memory_space<vmem>>) offsets(%dma_start3A_28 : memref<80xi32, #tpu.memory_space<vmem>>) semaphore(%arg18 : memref<!tpu.dma_semaphore, #tpu.memory_space<semaphore_mem>>)
    %add3A_32 = arith.constant 160 : i32
    %add3A_33 = arith.addi %mul3A_2, %add3A_32 : i32
    %dma_start3A_34 = arith.constant 1 : i32
    %dma_start3A_35 = tpu.memref_slice %arg2[%dma_start3A_34, %add3A_33] : memref<2x320000xi32, #tpu.memory_space<hbm>> -> memref<1x80xi32, #tpu.memory_space<hbm>>
    %dma_start3A_36 = tpu.memref_squeeze %dma_start3A_35 : memref<1x80xi32, #tpu.memory_space<hbm>> -> memref<80xi32, #tpu.memory_space<hbm>>
    %dma_start3A_37 = tpu.memref_slice %arg2[%dma_start3A_34, %add3A_33] : memref<2x320000xi32, #tpu.memory_space<hbm>> -> memref<1x80xi32, #tpu.memory_space<hbm>>
    %dma_start3A_38 = tpu.memref_squeeze %dma_start3A_37 : memref<1x80xi32, #tpu.memory_space<hbm>> -> memref<80xi32, #tpu.memory_space<hbm>>
    tpu.enqueue_dma source(%dma_start3A_38 : memref<80xi32, #tpu.memory_space<hbm>>) target(%arg8 : memref<80xi32, #tpu.memory_space<vmem>>) target_semaphore(%arg24 : memref<!tpu.dma_semaphore, #tpu.memory_space<semaphore_mem>>)
    %dma_start3A_39 = arith.constant 160 : i32
    %dma_start3A_40 = tpu.memref_slice %arg5[%dma_start3A_39] : memref<10000xi32, #tpu.memory_space<vmem>> -> memref<80xi32, #tpu.memory_space<vmem>>
    %dma_start3A_41 = arith.constant 0 : i32
    %dma_start3A_42 = arith.constant 0 : i32
    %dma_start3A_43 = tpu.memref_slice %arg3[%dma_start3A_41, %dma_start3A_42] : memref<10240x16xf32, #tpu.memory_space<hbm>> -> memref<10240x16xf32, #tpu.memory_space<hbm>>
    tpu.enqueue_indirect_dma source(%dma_start3A_43 : memref<10240x16xf32, #tpu.memory_space<hbm>>) target(%arg13 : memref<80x16xf32, #tpu.memory_space<vmem>>) offsets(%dma_start3A_40 : memref<80xi32, #tpu.memory_space<vmem>>) semaphore(%arg19 : memref<!tpu.dma_semaphore, #tpu.memory_space<semaphore_mem>>)
    %add3A_44 = arith.constant 240 : i32
    %add3A_45 = arith.addi %mul3A_2, %add3A_44 : i32
    %dma_start3A_46 = arith.constant 1 : i32
    %dma_start3A_47 = tpu.memref_slice %arg2[%dma_start3A_46, %add3A_45] : memref<2x320000xi32, #tpu.memory_space<hbm>> -> memref<1x80xi32, #tpu.memory_space<hbm>>
    %dma_start3A_48 = tpu.memref_squeeze %dma_start3A_47 : memref<1x80xi32, #tpu.memory_space<hbm>> -> memref<80xi32, #tpu.memory_space<hbm>>
    %dma_start3A_49 = tpu.memref_slice %arg2[%dma_start3A_46, %add3A_45] : memref<2x320000xi32, #tpu.memory_space<hbm>> -> memref<1x80xi32, #tpu.memory_space<hbm>>
    %dma_start3A_50 = tpu.memref_squeeze %dma_start3A_49 : memref<1x80xi32, #tpu.memory_space<hbm>> -> memref<80xi32, #tpu.memory_space<hbm>>
    tpu.enqueue_dma source(%dma_start3A_50 : memref<80xi32, #tpu.memory_space<hbm>>) target(%arg9 : memref<80xi32, #tpu.memory_space<vmem>>) target_semaphore(%arg25 : memref<!tpu.dma_semaphore, #tpu.memory_space<semaphore_mem>>)
    %dma_start3A_51 = arith.constant 240 : i32
    %dma_start3A_52 = tpu.memref_slice %arg5[%dma_start3A_51] : memref<10000xi32, #tpu.memory_space<vmem>> -> memref<80xi32, #tpu.memory_space<vmem>>
    %dma_start3A_53 = arith.constant 0 : i32
    %dma_start3A_54 = arith.constant 0 : i32
    %dma_start3A_55 = tpu.memref_slice %arg3[%dma_start3A_53, %dma_start3A_54] : memref<10240x16xf32, #tpu.memory_space<hbm>> -> memref<10240x16xf32, #tpu.memory_space<hbm>>
    tpu.enqueue_indirect_dma source(%dma_start3A_55 : memref<10240x16xf32, #tpu.memory_space<hbm>>) target(%arg14 : memref<80x16xf32, #tpu.memory_space<vmem>>) offsets(%dma_start3A_52 : memref<80xi32, #tpu.memory_space<vmem>>) semaphore(%arg20 : memref<!tpu.dma_semaphore, #tpu.memory_space<semaphore_mem>>)
    %add3A_56 = arith.constant 320 : i32
    %add3A_57 = arith.addi %mul3A_2, %add3A_56 : i32
    %dma_start3A_58 = arith.constant 1 : i32
    %dma_start3A_59 = tpu.memref_slice %arg2[%dma_start3A_58, %add3A_57] : memref<2x320000xi32, #tpu.memory_space<hbm>> -> memref<1x80xi32, #tpu.memory_space<hbm>>
    %dma_start3A_60 = tpu.memref_squeeze %dma_start3A_59 : memref<1x80xi32, #tpu.memory_space<hbm>> -> memref<80xi32, #tpu.memory_space<hbm>>
    %dma_start3A_61 = tpu.memref_slice %arg2[%dma_start3A_58, %add3A_57] : memref<2x320000xi32, #tpu.memory_space<hbm>> -> memref<1x80xi32, #tpu.memory_space<hbm>>
    %dma_start3A_62 = tpu.memref_squeeze %dma_start3A_61 : memref<1x80xi32, #tpu.memory_space<hbm>> -> memref<80xi32, #tpu.memory_space<hbm>>
    tpu.enqueue_dma source(%dma_start3A_62 : memref<80xi32, #tpu.memory_space<hbm>>) target(%arg10 : memref<80xi32, #tpu.memory_space<vmem>>) target_semaphore(%arg26 : memref<!tpu.dma_semaphore, #tpu.memory_space<semaphore_mem>>)
    %dma_start3A_63 = arith.constant 320 : i32
    %dma_start3A_64 = tpu.memref_slice %arg5[%dma_start3A_63] : memref<10000xi32, #tpu.memory_space<vmem>> -> memref<80xi32, #tpu.memory_space<vmem>>
    %dma_start3A_65 = arith.constant 0 : i32
    %dma_start3A_66 = arith.constant 0 : i32
    %dma_start3A_67 = tpu.memref_slice %arg3[%dma_start3A_65, %dma_start3A_66] : memref<10240x16xf32, #tpu.memory_space<hbm>> -> memref<10240x16xf32, #tpu.memory_space<hbm>>
    tpu.enqueue_indirect_dma source(%dma_start3A_67 : memref<10240x16xf32, #tpu.memory_space<hbm>>) target(%arg15 : memref<80x16xf32, #tpu.memory_space<vmem>>) offsets(%dma_start3A_64 : memref<80xi32, #tpu.memory_space<vmem>>) semaphore(%arg21 : memref<!tpu.dma_semaphore, #tpu.memory_space<semaphore_mem>>)
    %scan3A = arith.constant 0 : i32
    %scan3A_68 = arith.constant 0 : i32
    %scan3A_69 = arith.constant 25 : i32
    %scan3A_70 = arith.addi %scan3A_68, %scan3A_69 : i32
    %scan3A_71 = arith.constant 1 : i32
    scf.for %scan3A_78 = %scan3A_68 to %scan3A_70 step %scan3A_71  : i32 {
      %mul3A_79 = arith.constant 5 : i32
      %mul3A_80 = arith.muli %scan3A_78, %mul3A_79 : i32
      %add3A_81 = arith.constant 0 : i32
      %add3A_82 = arith.addi %mul3A_80, %add3A_81 : i32
      %mul3A_83 = arith.constant 80 : i32
      %mul3A_84 = arith.muli %add3A_82, %mul3A_83 : i32
      %add3A_85 = arith.addi %mul3A_2, %mul3A_84 : i32
      %dma_wait3A = arith.constant 1 : i32
      %dma_wait3A_86 = tpu.memref_slice %arg2[%dma_wait3A, %add3A_85] : memref<2x320000xi32, #tpu.memory_space<hbm>> -> memref<1x80xi32, #tpu.memory_space<hbm>>
      %dma_wait3A_87 = tpu.memref_squeeze %dma_wait3A_86 : memref<1x80xi32, #tpu.memory_space<hbm>> -> memref<80xi32, #tpu.memory_space<hbm>>
      %dma_wait3A_88 = tpu.memref_slice %arg2[%dma_wait3A, %add3A_85] : memref<2x320000xi32, #tpu.memory_space<hbm>> -> memref<1x80xi32, #tpu.memory_space<hbm>>
      %dma_wait3A_89 = tpu.memref_squeeze %dma_wait3A_88 : memref<1x80xi32, #tpu.memory_space<hbm>> -> memref<80xi32, #tpu.memory_space<hbm>>
      tpu.wait_dma2 semaphore(%arg22 : memref<!tpu.dma_semaphore, #tpu.memory_space<semaphore_mem>>) src(%dma_wait3A_89 : memref<80xi32, #tpu.memory_space<hbm>>) dst(%arg6 : memref<80xi32, #tpu.memory_space<vmem>>)
      %mul3A_90 = arith.constant 80 : i32
      %mul3A_91 = arith.muli %add3A_82, %mul3A_90 : i32
      %dma_wait3A_92 = tpu.memref_slice %arg5[%mul3A_91] : memref<10000xi32, #tpu.memory_space<vmem>> -> memref<80xi32, #tpu.memory_space<vmem>>
      %dma_wait3A_93 = arith.constant 0 : i32
      %dma_wait3A_94 = arith.constant 0 : i32
      %dma_wait3A_95 = tpu.memref_slice %arg3[%dma_wait3A_93, %dma_wait3A_94] : memref<10240x16xf32, #tpu.memory_space<hbm>> -> memref<10240x16xf32, #tpu.memory_space<hbm>>
      tpu.wait_indirect_dma semaphore(%arg17 : memref<!tpu.dma_semaphore, #tpu.memory_space<semaphore_mem>>) src(%dma_wait3A_95 : memref<10240x16xf32, #tpu.memory_space<hbm>>) dst(%arg11 : memref<80x16xf32, #tpu.memory_space<vmem>>)
      "tpu.region"() ({
        %run_scoped3A_202 = tpu.sem_alloc : memref<!tpu.dma_semaphore, #tpu.memory_space<semaphore_mem>>
        %dma_start3A_203 = arith.constant 0 : i32
        %dma_start3A_204 = arith.constant 0 : i32
        %dma_start3A_205 = tpu.memref_slice %arg16[%dma_start3A_203, %dma_start3A_204] : memref<10240x16xf32, #tpu.memory_space<vmem_shared>> -> memref<10240x16xf32, #tpu.memory_space<vmem_shared>>
        tpu.enqueue_indirect_dma source(%arg11 : memref<80x16xf32, #tpu.memory_space<vmem>>) target(%dma_start3A_205 : memref<10240x16xf32, #tpu.memory_space<vmem_shared>>) offsets(%arg6 : memref<80xi32, #tpu.memory_space<vmem>>) semaphore(%run_scoped3A_202 : memref<!tpu.dma_semaphore, #tpu.memory_space<semaphore_mem>>) {add = true}
        %dma_wait3A_206 = arith.constant 0 : i32
        %dma_wait3A_207 = arith.constant 0 : i32
        %dma_wait3A_208 = tpu.memref_slice %arg16[%dma_wait3A_206, %dma_wait3A_207] : memref<10240x16xf32, #tpu.memory_space<vmem_shared>> -> memref<10240x16xf32, #tpu.memory_space<vmem_shared>>
        tpu.wait_indirect_dma semaphore(%run_scoped3A_202 : memref<!tpu.dma_semaphore, #tpu.memory_space<semaphore_mem>>) src(%arg11 : memref<80x16xf32, #tpu.memory_space<vmem>>) dst(%dma_wait3A_208 : memref<10240x16xf32, #tpu.memory_space<vmem_shared>>)
        tpu.yield
      }) : () -> ()
      %add3A_96 = arith.constant 5 : i32
      %add3A_97 = arith.addi %add3A_82, %add3A_96 : i32
      %lt3A = arith.constant 125 : i32
      %lt3A_98 = arith.cmpi slt, %add3A_97, %lt3A : i32
      %convert_element_type3A_99 = arith.extui %lt3A_98 : i1 to i32
      %cond3A_100 = arith.constant 0 : i32
      %cond3A_101 = arith.cmpi ne, %convert_element_type3A_99, %cond3A_100 : i32
      scf.if %cond3A_101 {
        %add3A_202 = arith.constant 5 : i32
        %add3A_203 = arith.addi %add3A_82, %add3A_202 : i32
        %mul3A_204 = arith.constant 80 : i32
        %mul3A_205 = arith.muli %add3A_203, %mul3A_204 : i32
        %add3A_206 = arith.addi %mul3A_2, %mul3A_205 : i32
        %dma_start3A_207 = arith.constant 1 : i32
        %dma_start3A_208 = tpu.memref_slice %arg2[%dma_start3A_207, %add3A_206] : memref<2x320000xi32, #tpu.memory_space<hbm>> -> memref<1x80xi32, #tpu.memory_space<hbm>>
        %dma_start3A_209 = tpu.memref_squeeze %dma_start3A_208 : memref<1x80xi32, #tpu.memory_space<hbm>> -> memref<80xi32, #tpu.memory_space<hbm>>
        %dma_start3A_210 = tpu.memref_slice %arg2[%dma_start3A_207, %add3A_206] : memref<2x320000xi32, #tpu.memory_space<hbm>> -> memref<1x80xi32, #tpu.memory_space<hbm>>
        %dma_start3A_211 = tpu.memref_squeeze %dma_start3A_210 : memref<1x80xi32, #tpu.memory_space<hbm>> -> memref<80xi32, #tpu.memory_space<hbm>>
        tpu.enqueue_dma source(%dma_start3A_211 : memref<80xi32, #tpu.memory_space<hbm>>) target(%arg6 : memref<80xi32, #tpu.memory_space<vmem>>) target_semaphore(%arg22 : memref<!tpu.dma_semaphore, #tpu.memory_space<semaphore_mem>>)
        %mul3A_212 = arith.constant 80 : i32
        %mul3A_213 = arith.muli %add3A_203, %mul3A_212 : i32
        %dma_start3A_214 = tpu.memref_slice %arg5[%mul3A_213] : memref<10000xi32, #tpu.memory_space<vmem>> -> memref<80xi32, #tpu.memory_space<vmem>>
        %dma_start3A_215 = arith.constant 0 : i32
        %dma_start3A_216 = arith.constant 0 : i32
        %dma_start3A_217 = tpu.memref_slice %arg3[%dma_start3A_215, %dma_start3A_216] : memref<10240x16xf32, #tpu.memory_space<hbm>> -> memref<10240x16xf32, #tpu.memory_space<hbm>>
        tpu.enqueue_indirect_dma source(%dma_start3A_217 : memref<10240x16xf32, #tpu.memory_space<hbm>>) target(%arg11 : memref<80x16xf32, #tpu.memory_space<vmem>>) offsets(%dma_start3A_214 : memref<80xi32, #tpu.memory_space<vmem>>) semaphore(%arg17 : memref<!tpu.dma_semaphore, #tpu.memory_space<semaphore_mem>>)
      } else {
      }
      %mul3A_102 = arith.constant 5 : i32
      %mul3A_103 = arith.muli %scan3A_78, %mul3A_102 : i32
      %add3A_104 = arith.constant 1 : i32
      %add3A_105 = arith.addi %mul3A_103, %add3A_104 : i32
      %mul3A_106 = arith.constant 80 : i32
      %mul3A_107 = arith.muli %add3A_105, %mul3A_106 : i32
      %add3A_108 = arith.addi %mul3A_2, %mul3A_107 : i32
      %dma_wait3A_109 = arith.constant 1 : i32
      %dma_wait3A_110 = tpu.memref_slice %arg2[%dma_wait3A_109, %add3A_108] : memref<2x320000xi32, #tpu.memory_space<hbm>> -> memref<1x80xi32, #tpu.memory_space<hbm>>
      %dma_wait3A_111 = tpu.memref_squeeze %dma_wait3A_110 : memref<1x80xi32, #tpu.memory_space<hbm>> -> memref<80xi32, #tpu.memory_space<hbm>>
      %dma_wait3A_112 = tpu.memref_slice %arg2[%dma_wait3A_109, %add3A_108] : memref<2x320000xi32, #tpu.memory_space<hbm>> -> memref<1x80xi32, #tpu.memory_space<hbm>>
      %dma_wait3A_113 = tpu.memref_squeeze %dma_wait3A_112 : memref<1x80xi32, #tpu.memory_space<hbm>> -> memref<80xi32, #tpu.memory_space<hbm>>
      tpu.wait_dma2 semaphore(%arg23 : memref<!tpu.dma_semaphore, #tpu.memory_space<semaphore_mem>>) src(%dma_wait3A_113 : memref<80xi32, #tpu.memory_space<hbm>>) dst(%arg7 : memref<80xi32, #tpu.memory_space<vmem>>)
      %mul3A_114 = arith.constant 80 : i32
      %mul3A_115 = arith.muli %add3A_105, %mul3A_114 : i32
      %dma_wait3A_116 = tpu.memref_slice %arg5[%mul3A_115] : memref<10000xi32, #tpu.memory_space<vmem>> -> memref<80xi32, #tpu.memory_space<vmem>>
      %dma_wait3A_117 = arith.constant 0 : i32
      %dma_wait3A_118 = arith.constant 0 : i32
      %dma_wait3A_119 = tpu.memref_slice %arg3[%dma_wait3A_117, %dma_wait3A_118] : memref<10240x16xf32, #tpu.memory_space<hbm>> -> memref<10240x16xf32, #tpu.memory_space<hbm>>
      tpu.wait_indirect_dma semaphore(%arg18 : memref<!tpu.dma_semaphore, #tpu.memory_space<semaphore_mem>>) src(%dma_wait3A_119 : memref<10240x16xf32, #tpu.memory_space<hbm>>) dst(%arg12 : memref<80x16xf32, #tpu.memory_space<vmem>>)
      "tpu.region"() ({
        %run_scoped3A_202 = tpu.sem_alloc : memref<!tpu.dma_semaphore, #tpu.memory_space<semaphore_mem>>
        %dma_start3A_203 = arith.constant 0 : i32
        %dma_start3A_204 = arith.constant 0 : i32
        %dma_start3A_205 = tpu.memref_slice %arg16[%dma_start3A_203, %dma_start3A_204] : memref<10240x16xf32, #tpu.memory_space<vmem_shared>> -> memref<10240x16xf32, #tpu.memory_space<vmem_shared>>
        tpu.enqueue_indirect_dma source(%arg12 : memref<80x16xf32, #tpu.memory_space<vmem>>) target(%dma_start3A_205 : memref<10240x16xf32, #tpu.memory_space<vmem_shared>>) offsets(%arg7 : memref<80xi32, #tpu.memory_space<vmem>>) semaphore(%run_scoped3A_202 : memref<!tpu.dma_semaphore, #tpu.memory_space<semaphore_mem>>) {add = true}
        %dma_wait3A_206 = arith.constant 0 : i32
        %dma_wait3A_207 = arith.constant 0 : i32
        %dma_wait3A_208 = tpu.memref_slice %arg16[%dma_wait3A_206, %dma_wait3A_207] : memref<10240x16xf32, #tpu.memory_space<vmem_shared>> -> memref<10240x16xf32, #tpu.memory_space<vmem_shared>>
        tpu.wait_indirect_dma semaphore(%run_scoped3A_202 : memref<!tpu.dma_semaphore, #tpu.memory_space<semaphore_mem>>) src(%arg12 : memref<80x16xf32, #tpu.memory_space<vmem>>) dst(%dma_wait3A_208 : memref<10240x16xf32, #tpu.memory_space<vmem_shared>>)
        tpu.yield
      }) : () -> ()
      %add3A_120 = arith.constant 5 : i32
      %add3A_121 = arith.addi %add3A_105, %add3A_120 : i32
      %lt3A_122 = arith.constant 125 : i32
      %lt3A_123 = arith.cmpi slt, %add3A_121, %lt3A_122 : i32
      %convert_element_type3A_124 = arith.extui %lt3A_123 : i1 to i32
      %cond3A_125 = arith.constant 0 : i32
      %cond3A_126 = arith.cmpi ne, %convert_element_type3A_124, %cond3A_125 : i32
      scf.if %cond3A_126 {
        %add3A_202 = arith.constant 5 : i32
        %add3A_203 = arith.addi %add3A_105, %add3A_202 : i32
        %mul3A_204 = arith.constant 80 : i32
        %mul3A_205 = arith.muli %add3A_203, %mul3A_204 : i32
        %add3A_206 = arith.addi %mul3A_2, %mul3A_205 : i32
        %dma_start3A_207 = arith.constant 1 : i32
        %dma_start3A_208 = tpu.memref_slice %arg2[%dma_start3A_207, %add3A_206] : memref<2x320000xi32, #tpu.memory_space<hbm>> -> memref<1x80xi32, #tpu.memory_space<hbm>>
        %dma_start3A_209 = tpu.memref_squeeze %dma_start3A_208 : memref<1x80xi32, #tpu.memory_space<hbm>> -> memref<80xi32, #tpu.memory_space<hbm>>
        %dma_start3A_210 = tpu.memref_slice %arg2[%dma_start3A_207, %add3A_206] : memref<2x320000xi32, #tpu.memory_space<hbm>> -> memref<1x80xi32, #tpu.memory_space<hbm>>
        %dma_start3A_211 = tpu.memref_squeeze %dma_start3A_210 : memref<1x80xi32, #tpu.memory_space<hbm>> -> memref<80xi32, #tpu.memory_space<hbm>>
        tpu.enqueue_dma source(%dma_start3A_211 : memref<80xi32, #tpu.memory_space<hbm>>) target(%arg7 : memref<80xi32, #tpu.memory_space<vmem>>) target_semaphore(%arg23 : memref<!tpu.dma_semaphore, #tpu.memory_space<semaphore_mem>>)
        %mul3A_212 = arith.constant 80 : i32
        %mul3A_213 = arith.muli %add3A_203, %mul3A_212 : i32
        %dma_start3A_214 = tpu.memref_slice %arg5[%mul3A_213] : memref<10000xi32, #tpu.memory_space<vmem>> -> memref<80xi32, #tpu.memory_space<vmem>>
        %dma_start3A_215 = arith.constant 0 : i32
        %dma_start3A_216 = arith.constant 0 : i32
        %dma_start3A_217 = tpu.memref_slice %arg3[%dma_start3A_215, %dma_start3A_216] : memref<10240x16xf32, #tpu.memory_space<hbm>> -> memref<10240x16xf32, #tpu.memory_space<hbm>>
        tpu.enqueue_indirect_dma source(%dma_start3A_217 : memref<10240x16xf32, #tpu.memory_space<hbm>>) target(%arg12 : memref<80x16xf32, #tpu.memory_space<vmem>>) offsets(%dma_start3A_214 : memref<80xi32, #tpu.memory_space<vmem>>) semaphore(%arg18 : memref<!tpu.dma_semaphore, #tpu.memory_space<semaphore_mem>>)
      } else {
      }
      %mul3A_127 = arith.constant 5 : i32
      %mul3A_128 = arith.muli %scan3A_78, %mul3A_127 : i32
      %add3A_129 = arith.constant 2 : i32
      %add3A_130 = arith.addi %mul3A_128, %add3A_129 : i32
      %mul3A_131 = arith.constant 80 : i32
      %mul3A_132 = arith.muli %add3A_130, %mul3A_131 : i32
      %add3A_133 = arith.addi %mul3A_2, %mul3A_132 : i32
      %dma_wait3A_134 = arith.constant 1 : i32
      %dma_wait3A_135 = tpu.memref_slice %arg2[%dma_wait3A_134, %add3A_133] : memref<2x320000xi32, #tpu.memory_space<hbm>> -> memref<1x80xi32, #tpu.memory_space<hbm>>
      %dma_wait3A_136 = tpu.memref_squeeze %dma_wait3A_135 : memref<1x80xi32, #tpu.memory_space<hbm>> -> memref<80xi32, #tpu.memory_space<hbm>>
      %dma_wait3A_137 = tpu.memref_slice %arg2[%dma_wait3A_134, %add3A_133] : memref<2x320000xi32, #tpu.memory_space<hbm>> -> memref<1x80xi32, #tpu.memory_space<hbm>>
      %dma_wait3A_138 = tpu.memref_squeeze %dma_wait3A_137 : memref<1x80xi32, #tpu.memory_space<hbm>> -> memref<80xi32, #tpu.memory_space<hbm>>
      tpu.wait_dma2 semaphore(%arg24 : memref<!tpu.dma_semaphore, #tpu.memory_space<semaphore_mem>>) src(%dma_wait3A_138 : memref<80xi32, #tpu.memory_space<hbm>>) dst(%arg8 : memref<80xi32, #tpu.memory_space<vmem>>)
      %mul3A_139 = arith.constant 80 : i32
      %mul3A_140 = arith.muli %add3A_130, %mul3A_139 : i32
      %dma_wait3A_141 = tpu.memref_slice %arg5[%mul3A_140] : memref<10000xi32, #tpu.memory_space<vmem>> -> memref<80xi32, #tpu.memory_space<vmem>>
      %dma_wait3A_142 = arith.constant 0 : i32
      %dma_wait3A_143 = arith.constant 0 : i32
      %dma_wait3A_144 = tpu.memref_slice %arg3[%dma_wait3A_142, %dma_wait3A_143] : memref<10240x16xf32, #tpu.memory_space<hbm>> -> memref<10240x16xf32, #tpu.memory_space<hbm>>
      tpu.wait_indirect_dma semaphore(%arg19 : memref<!tpu.dma_semaphore, #tpu.memory_space<semaphore_mem>>) src(%dma_wait3A_144 : memref<10240x16xf32, #tpu.memory_space<hbm>>) dst(%arg13 : memref<80x16xf32, #tpu.memory_space<vmem>>)
      "tpu.region"() ({
        %run_scoped3A_202 = tpu.sem_alloc : memref<!tpu.dma_semaphore, #tpu.memory_space<semaphore_mem>>
        %dma_start3A_203 = arith.constant 0 : i32
        %dma_start3A_204 = arith.constant 0 : i32
        %dma_start3A_205 = tpu.memref_slice %arg16[%dma_start3A_203, %dma_start3A_204] : memref<10240x16xf32, #tpu.memory_space<vmem_shared>> -> memref<10240x16xf32, #tpu.memory_space<vmem_shared>>
        tpu.enqueue_indirect_dma source(%arg13 : memref<80x16xf32, #tpu.memory_space<vmem>>) target(%dma_start3A_205 : memref<10240x16xf32, #tpu.memory_space<vmem_shared>>) offsets(%arg8 : memref<80xi32, #tpu.memory_space<vmem>>) semaphore(%run_scoped3A_202 : memref<!tpu.dma_semaphore, #tpu.memory_space<semaphore_mem>>) {add = true}
        %dma_wait3A_206 = arith.constant 0 : i32
        %dma_wait3A_207 = arith.constant 0 : i32
        %dma_wait3A_208 = tpu.memref_slice %arg16[%dma_wait3A_206, %dma_wait3A_207] : memref<10240x16xf32, #tpu.memory_space<vmem_shared>> -> memref<10240x16xf32, #tpu.memory_space<vmem_shared>>
        tpu.wait_indirect_dma semaphore(%run_scoped3A_202 : memref<!tpu.dma_semaphore, #tpu.memory_space<semaphore_mem>>) src(%arg13 : memref<80x16xf32, #tpu.memory_space<vmem>>) dst(%dma_wait3A_208 : memref<10240x16xf32, #tpu.memory_space<vmem_shared>>)
        tpu.yield
      }) : () -> ()
      %add3A_145 = arith.constant 5 : i32
      %add3A_146 = arith.addi %add3A_130, %add3A_145 : i32
      %lt3A_147 = arith.constant 125 : i32
      %lt3A_148 = arith.cmpi slt, %add3A_146, %lt3A_147 : i32
      %convert_element_type3A_149 = arith.extui %lt3A_148 : i1 to i32
      %cond3A_150 = arith.constant 0 : i32
      %cond3A_151 = arith.cmpi ne, %convert_element_type3A_149, %cond3A_150 : i32
      scf.if %cond3A_151 {
        %add3A_202 = arith.constant 5 : i32
        %add3A_203 = arith.addi %add3A_130, %add3A_202 : i32
        %mul3A_204 = arith.constant 80 : i32
        %mul3A_205 = arith.muli %add3A_203, %mul3A_204 : i32
        %add3A_206 = arith.addi %mul3A_2, %mul3A_205 : i32
        %dma_start3A_207 = arith.constant 1 : i32
        %dma_start3A_208 = tpu.memref_slice %arg2[%dma_start3A_207, %add3A_206] : memref<2x320000xi32, #tpu.memory_space<hbm>> -> memref<1x80xi32, #tpu.memory_space<hbm>>
        %dma_start3A_209 = tpu.memref_squeeze %dma_start3A_208 : memref<1x80xi32, #tpu.memory_space<hbm>> -> memref<80xi32, #tpu.memory_space<hbm>>
        %dma_start3A_210 = tpu.memref_slice %arg2[%dma_start3A_207, %add3A_206] : memref<2x320000xi32, #tpu.memory_space<hbm>> -> memref<1x80xi32, #tpu.memory_space<hbm>>
        %dma_start3A_211 = tpu.memref_squeeze %dma_start3A_210 : memref<1x80xi32, #tpu.memory_space<hbm>> -> memref<80xi32, #tpu.memory_space<hbm>>
        tpu.enqueue_dma source(%dma_start3A_211 : memref<80xi32, #tpu.memory_space<hbm>>) target(%arg8 : memref<80xi32, #tpu.memory_space<vmem>>) target_semaphore(%arg24 : memref<!tpu.dma_semaphore, #tpu.memory_space<semaphore_mem>>)
        %mul3A_212 = arith.constant 80 : i32
        %mul3A_213 = arith.muli %add3A_203, %mul3A_212 : i32
        %dma_start3A_214 = tpu.memref_slice %arg5[%mul3A_213] : memref<10000xi32, #tpu.memory_space<vmem>> -> memref<80xi32, #tpu.memory_space<vmem>>
        %dma_start3A_215 = arith.constant 0 : i32
        %dma_start3A_216 = arith.constant 0 : i32
        %dma_start3A_217 = tpu.memref_slice %arg3[%dma_start3A_215, %dma_start3A_216] : memref<10240x16xf32, #tpu.memory_space<hbm>> -> memref<10240x16xf32, #tpu.memory_space<hbm>>
        tpu.enqueue_indirect_dma source(%dma_start3A_217 : memref<10240x16xf32, #tpu.memory_space<hbm>>) target(%arg13 : memref<80x16xf32, #tpu.memory_space<vmem>>) offsets(%dma_start3A_214 : memref<80xi32, #tpu.memory_space<vmem>>) semaphore(%arg19 : memref<!tpu.dma_semaphore, #tpu.memory_space<semaphore_mem>>)
      } else {
      }
      %mul3A_152 = arith.constant 5 : i32
      %mul3A_153 = arith.muli %scan3A_78, %mul3A_152 : i32
      %add3A_154 = arith.constant 3 : i32
      %add3A_155 = arith.addi %mul3A_153, %add3A_154 : i32
      %mul3A_156 = arith.constant 80 : i32
      %mul3A_157 = arith.muli %add3A_155, %mul3A_156 : i32
      %add3A_158 = arith.addi %mul3A_2, %mul3A_157 : i32
      %dma_wait3A_159 = arith.constant 1 : i32
      %dma_wait3A_160 = tpu.memref_slice %arg2[%dma_wait3A_159, %add3A_158] : memref<2x320000xi32, #tpu.memory_space<hbm>> -> memref<1x80xi32, #tpu.memory_space<hbm>>
      %dma_wait3A_161 = tpu.memref_squeeze %dma_wait3A_160 : memref<1x80xi32, #tpu.memory_space<hbm>> -> memref<80xi32, #tpu.memory_space<hbm>>
      %dma_wait3A_162 = tpu.memref_slice %arg2[%dma_wait3A_159, %add3A_158] : memref<2x320000xi32, #tpu.memory_space<hbm>> -> memref<1x80xi32, #tpu.memory_space<hbm>>
      %dma_wait3A_163 = tpu.memref_squeeze %dma_wait3A_162 : memref<1x80xi32, #tpu.memory_space<hbm>> -> memref<80xi32, #tpu.memory_space<hbm>>
      tpu.wait_dma2 semaphore(%arg25 : memref<!tpu.dma_semaphore, #tpu.memory_space<semaphore_mem>>) src(%dma_wait3A_163 : memref<80xi32, #tpu.memory_space<hbm>>) dst(%arg9 : memref<80xi32, #tpu.memory_space<vmem>>)
      %mul3A_164 = arith.constant 80 : i32
      %mul3A_165 = arith.muli %add3A_155, %mul3A_164 : i32
      %dma_wait3A_166 = tpu.memref_slice %arg5[%mul3A_165] : memref<10000xi32, #tpu.memory_space<vmem>> -> memref<80xi32, #tpu.memory_space<vmem>>
      %dma_wait3A_167 = arith.constant 0 : i32
      %dma_wait3A_168 = arith.constant 0 : i32
      %dma_wait3A_169 = tpu.memref_slice %arg3[%dma_wait3A_167, %dma_wait3A_168] : memref<10240x16xf32, #tpu.memory_space<hbm>> -> memref<10240x16xf32, #tpu.memory_space<hbm>>
      tpu.wait_indirect_dma semaphore(%arg20 : memref<!tpu.dma_semaphore, #tpu.memory_space<semaphore_mem>>) src(%dma_wait3A_169 : memref<10240x16xf32, #tpu.memory_space<hbm>>) dst(%arg14 : memref<80x16xf32, #tpu.memory_space<vmem>>)
      "tpu.region"() ({
        %run_scoped3A_202 = tpu.sem_alloc : memref<!tpu.dma_semaphore, #tpu.memory_space<semaphore_mem>>
        %dma_start3A_203 = arith.constant 0 : i32
        %dma_start3A_204 = arith.constant 0 : i32
        %dma_start3A_205 = tpu.memref_slice %arg16[%dma_start3A_203, %dma_start3A_204] : memref<10240x16xf32, #tpu.memory_space<vmem_shared>> -> memref<10240x16xf32, #tpu.memory_space<vmem_shared>>
        tpu.enqueue_indirect_dma source(%arg14 : memref<80x16xf32, #tpu.memory_space<vmem>>) target(%dma_start3A_205 : memref<10240x16xf32, #tpu.memory_space<vmem_shared>>) offsets(%arg9 : memref<80xi32, #tpu.memory_space<vmem>>) semaphore(%run_scoped3A_202 : memref<!tpu.dma_semaphore, #tpu.memory_space<semaphore_mem>>) {add = true}
        %dma_wait3A_206 = arith.constant 0 : i32
        %dma_wait3A_207 = arith.constant 0 : i32
        %dma_wait3A_208 = tpu.memref_slice %arg16[%dma_wait3A_206, %dma_wait3A_207] : memref<10240x16xf32, #tpu.memory_space<vmem_shared>> -> memref<10240x16xf32, #tpu.memory_space<vmem_shared>>
        tpu.wait_indirect_dma semaphore(%run_scoped3A_202 : memref<!tpu.dma_semaphore, #tpu.memory_space<semaphore_mem>>) src(%arg14 : memref<80x16xf32, #tpu.memory_space<vmem>>) dst(%dma_wait3A_208 : memref<10240x16xf32, #tpu.memory_space<vmem_shared>>)
        tpu.yield
      }) : () -> ()
      %add3A_170 = arith.constant 5 : i32
      %add3A_171 = arith.addi %add3A_155, %add3A_170 : i32
      %lt3A_172 = arith.constant 125 : i32
      %lt3A_173 = arith.cmpi slt, %add3A_171, %lt3A_172 : i32
      %convert_element_type3A_174 = arith.extui %lt3A_173 : i1 to i32
      %cond3A_175 = arith.constant 0 : i32
      %cond3A_176 = arith.cmpi ne, %convert_element_type3A_174, %cond3A_175 : i32
      scf.if %cond3A_176 {
        %add3A_202 = arith.constant 5 : i32
        %add3A_203 = arith.addi %add3A_155, %add3A_202 : i32
        %mul3A_204 = arith.constant 80 : i32
        %mul3A_205 = arith.muli %add3A_203, %mul3A_204 : i32
        %add3A_206 = arith.addi %mul3A_2, %mul3A_205 : i32
        %dma_start3A_207 = arith.constant 1 : i32
        %dma_start3A_208 = tpu.memref_slice %arg2[%dma_start3A_207, %add3A_206] : memref<2x320000xi32, #tpu.memory_space<hbm>> -> memref<1x80xi32, #tpu.memory_space<hbm>>
        %dma_start3A_209 = tpu.memref_squeeze %dma_start3A_208 : memref<1x80xi32, #tpu.memory_space<hbm>> -> memref<80xi32, #tpu.memory_space<hbm>>
        %dma_start3A_210 = tpu.memref_slice %arg2[%dma_start3A_207, %add3A_206] : memref<2x320000xi32, #tpu.memory_space<hbm>> -> memref<1x80xi32, #tpu.memory_space<hbm>>
        %dma_start3A_211 = tpu.memref_squeeze %dma_start3A_210 : memref<1x80xi32, #tpu.memory_space<hbm>> -> memref<80xi32, #tpu.memory_space<hbm>>
        tpu.enqueue_dma source(%dma_start3A_211 : memref<80xi32, #tpu.memory_space<hbm>>) target(%arg9 : memref<80xi32, #tpu.memory_space<vmem>>) target_semaphore(%arg25 : memref<!tpu.dma_semaphore, #tpu.memory_space<semaphore_mem>>)
        %mul3A_212 = arith.constant 80 : i32
        %mul3A_213 = arith.muli %add3A_203, %mul3A_212 : i32
        %dma_start3A_214 = tpu.memref_slice %arg5[%mul3A_213] : memref<10000xi32, #tpu.memory_space<vmem>> -> memref<80xi32, #tpu.memory_space<vmem>>
        %dma_start3A_215 = arith.constant 0 : i32
        %dma_start3A_216 = arith.constant 0 : i32
        %dma_start3A_217 = tpu.memref_slice %arg3[%dma_start3A_215, %dma_start3A_216] : memref<10240x16xf32, #tpu.memory_space<hbm>> -> memref<10240x16xf32, #tpu.memory_space<hbm>>
        tpu.enqueue_indirect_dma source(%dma_start3A_217 : memref<10240x16xf32, #tpu.memory_space<hbm>>) target(%arg14 : memref<80x16xf32, #tpu.memory_space<vmem>>) offsets(%dma_start3A_214 : memref<80xi32, #tpu.memory_space<vmem>>) semaphore(%arg20 : memref<!tpu.dma_semaphore, #tpu.memory_space<semaphore_mem>>)
      } else {
      }
      %mul3A_177 = arith.constant 5 : i32
      %mul3A_178 = arith.muli %scan3A_78, %mul3A_177 : i32
      %add3A_179 = arith.constant 4 : i32
      %add3A_180 = arith.addi %mul3A_178, %add3A_179 : i32
      %mul3A_181 = arith.constant 80 : i32
      %mul3A_182 = arith.muli %add3A_180, %mul3A_181 : i32
      %add3A_183 = arith.addi %mul3A_2, %mul3A_182 : i32
      %dma_wait3A_184 = arith.constant 1 : i32
      %dma_wait3A_185 = tpu.memref_slice %arg2[%dma_wait3A_184, %add3A_183] : memref<2x320000xi32, #tpu.memory_space<hbm>> -> memref<1x80xi32, #tpu.memory_space<hbm>>
      %dma_wait3A_186 = tpu.memref_squeeze %dma_wait3A_185 : memref<1x80xi32, #tpu.memory_space<hbm>> -> memref<80xi32, #tpu.memory_space<hbm>>
      %dma_wait3A_187 = tpu.memref_slice %arg2[%dma_wait3A_184, %add3A_183] : memref<2x320000xi32, #tpu.memory_space<hbm>> -> memref<1x80xi32, #tpu.memory_space<hbm>>
      %dma_wait3A_188 = tpu.memref_squeeze %dma_wait3A_187 : memref<1x80xi32, #tpu.memory_space<hbm>> -> memref<80xi32, #tpu.memory_space<hbm>>
      tpu.wait_dma2 semaphore(%arg26 : memref<!tpu.dma_semaphore, #tpu.memory_space<semaphore_mem>>) src(%dma_wait3A_188 : memref<80xi32, #tpu.memory_space<hbm>>) dst(%arg10 : memref<80xi32, #tpu.memory_space<vmem>>)
      %mul3A_189 = arith.constant 80 : i32
      %mul3A_190 = arith.muli %add3A_180, %mul3A_189 : i32
      %dma_wait3A_191 = tpu.memref_slice %arg5[%mul3A_190] : memref<10000xi32, #tpu.memory_space<vmem>> -> memref<80xi32, #tpu.memory_space<vmem>>
      %dma_wait3A_192 = arith.constant 0 : i32
      %dma_wait3A_193 = arith.constant 0 : i32
      %dma_wait3A_194 = tpu.memref_slice %arg3[%dma_wait3A_192, %dma_wait3A_193] : memref<10240x16xf32, #tpu.memory_space<hbm>> -> memref<10240x16xf32, #tpu.memory_space<hbm>>
      tpu.wait_indirect_dma semaphore(%arg21 : memref<!tpu.dma_semaphore, #tpu.memory_space<semaphore_mem>>) src(%dma_wait3A_194 : memref<10240x16xf32, #tpu.memory_space<hbm>>) dst(%arg15 : memref<80x16xf32, #tpu.memory_space<vmem>>)
      "tpu.region"() ({
        %run_scoped3A_202 = tpu.sem_alloc : memref<!tpu.dma_semaphore, #tpu.memory_space<semaphore_mem>>
        %dma_start3A_203 = arith.constant 0 : i32
        %dma_start3A_204 = arith.constant 0 : i32
        %dma_start3A_205 = tpu.memref_slice %arg16[%dma_start3A_203, %dma_start3A_204] : memref<10240x16xf32, #tpu.memory_space<vmem_shared>> -> memref<10240x16xf32, #tpu.memory_space<vmem_shared>>
        tpu.enqueue_indirect_dma source(%arg15 : memref<80x16xf32, #tpu.memory_space<vmem>>) target(%dma_start3A_205 : memref<10240x16xf32, #tpu.memory_space<vmem_shared>>) offsets(%arg10 : memref<80xi32, #tpu.memory_space<vmem>>) semaphore(%run_scoped3A_202 : memref<!tpu.dma_semaphore, #tpu.memory_space<semaphore_mem>>) {add = true}
        %dma_wait3A_206 = arith.constant 0 : i32
        %dma_wait3A_207 = arith.constant 0 : i32
        %dma_wait3A_208 = tpu.memref_slice %arg16[%dma_wait3A_206, %dma_wait3A_207] : memref<10240x16xf32, #tpu.memory_space<vmem_shared>> -> memref<10240x16xf32, #tpu.memory_space<vmem_shared>>
        tpu.wait_indirect_dma semaphore(%run_scoped3A_202 : memref<!tpu.dma_semaphore, #tpu.memory_space<semaphore_mem>>) src(%arg15 : memref<80x16xf32, #tpu.memory_space<vmem>>) dst(%dma_wait3A_208 : memref<10240x16xf32, #tpu.memory_space<vmem_shared>>)
        tpu.yield
      }) : () -> ()
      %add3A_195 = arith.constant 5 : i32
      %add3A_196 = arith.addi %add3A_180, %add3A_195 : i32
      %lt3A_197 = arith.constant 125 : i32
      %lt3A_198 = arith.cmpi slt, %add3A_196, %lt3A_197 : i32
      %convert_element_type3A_199 = arith.extui %lt3A_198 : i1 to i32
      %cond3A_200 = arith.constant 0 : i32
      %cond3A_201 = arith.cmpi ne, %convert_element_type3A_199, %cond3A_200 : i32
      scf.if %cond3A_201 {
        %add3A_202 = arith.constant 5 : i32
        %add3A_203 = arith.addi %add3A_180, %add3A_202 : i32
        %mul3A_204 = arith.constant 80 : i32
        %mul3A_205 = arith.muli %add3A_203, %mul3A_204 : i32
        %add3A_206 = arith.addi %mul3A_2, %mul3A_205 : i32
        %dma_start3A_207 = arith.constant 1 : i32
        %dma_start3A_208 = tpu.memref_slice %arg2[%dma_start3A_207, %add3A_206] : memref<2x320000xi32, #tpu.memory_space<hbm>> -> memref<1x80xi32, #tpu.memory_space<hbm>>
        %dma_start3A_209 = tpu.memref_squeeze %dma_start3A_208 : memref<1x80xi32, #tpu.memory_space<hbm>> -> memref<80xi32, #tpu.memory_space<hbm>>
        %dma_start3A_210 = tpu.memref_slice %arg2[%dma_start3A_207, %add3A_206] : memref<2x320000xi32, #tpu.memory_space<hbm>> -> memref<1x80xi32, #tpu.memory_space<hbm>>
        %dma_start3A_211 = tpu.memref_squeeze %dma_start3A_210 : memref<1x80xi32, #tpu.memory_space<hbm>> -> memref<80xi32, #tpu.memory_space<hbm>>
        tpu.enqueue_dma source(%dma_start3A_211 : memref<80xi32, #tpu.memory_space<hbm>>) target(%arg10 : memref<80xi32, #tpu.memory_space<vmem>>) target_semaphore(%arg26 : memref<!tpu.dma_semaphore, #tpu.memory_space<semaphore_mem>>)
        %mul3A_212 = arith.constant 80 : i32
        %mul3A_213 = arith.muli %add3A_203, %mul3A_212 : i32
        %dma_start3A_214 = tpu.memref_slice %arg5[%mul3A_213] : memref<10000xi32, #tpu.memory_space<vmem>> -> memref<80xi32, #tpu.memory_space<vmem>>
        %dma_start3A_215 = arith.constant 0 : i32
        %dma_start3A_216 = arith.constant 0 : i32
        %dma_start3A_217 = tpu.memref_slice %arg3[%dma_start3A_215, %dma_start3A_216] : memref<10240x16xf32, #tpu.memory_space<hbm>> -> memref<10240x16xf32, #tpu.memory_space<hbm>>
        tpu.enqueue_indirect_dma source(%dma_start3A_217 : memref<10240x16xf32, #tpu.memory_space<hbm>>) target(%arg15 : memref<80x16xf32, #tpu.memory_space<vmem>>) offsets(%dma_start3A_214 : memref<80xi32, #tpu.memory_space<vmem>>) semaphore(%arg21 : memref<!tpu.dma_semaphore, #tpu.memory_space<semaphore_mem>>)
      } else {
      }
    }
    %scan3A_72 = arith.constant 25 : i32
    %barrier3A_73 = arith.constant 0 : index
    tpu.barrier barrier_id(%barrier3A_73)
    %mul3A_74 = arith.constant 640 : i32
    %mul3A_75 = arith.muli %arg1, %mul3A_74 : i32
    %mul3A_76 = arith.constant 640 : i32
    %mul3A_77 = arith.muli %arg1, %mul3A_76 : i32
    "tpu.region"() ({
      %run_scoped3A_78 = tpu.sem_alloc : memref<!tpu.dma_semaphore, #tpu.memory_space<semaphore_mem>>
      %dma_start3A_79 = arith.constant 0 : i32
      %dma_start3A_80 = tpu.memref_slice %arg4[%arg0, %mul3A_77, %dma_start3A_79] : memref<2x10240x16xf32, #tpu.memory_space<hbm>> -> memref<1x640x16xf32, #tpu.memory_space<hbm>>
      %dma_start3A_81 = tpu.memref_squeeze %dma_start3A_80 : memref<1x640x16xf32, #tpu.memory_space<hbm>> -> memref<640x16xf32, #tpu.memory_space<hbm>>
      %dma_start3A_82 = arith.constant 0 : i32
      %dma_start3A_83 = tpu.memref_slice %arg16[%mul3A_75, %dma_start3A_82] : memref<10240x16xf32, #tpu.memory_space<vmem_shared>> -> memref<640x16xf32, #tpu.memory_space<vmem_shared>>
      tpu.enqueue_dma source(%dma_start3A_83 : memref<640x16xf32, #tpu.memory_space<vmem_shared>>) target(%dma_start3A_81 : memref<640x16xf32, #tpu.memory_space<hbm>>) target_semaphore(%run_scoped3A_78 : memref<!tpu.dma_semaphore, #tpu.memory_space<semaphore_mem>>)
      %dma_wait3A = arith.constant 0 : i32
      %dma_wait3A_84 = tpu.memref_slice %arg4[%arg0, %mul3A_77, %dma_wait3A] : memref<2x10240x16xf32, #tpu.memory_space<hbm>> -> memref<1x640x16xf32, #tpu.memory_space<hbm>>
      %dma_wait3A_85 = tpu.memref_squeeze %dma_wait3A_84 : memref<1x640x16xf32, #tpu.memory_space<hbm>> -> memref<640x16xf32, #tpu.memory_space<hbm>>
      %dma_wait3A_86 = arith.constant 0 : i32
      %dma_wait3A_87 = tpu.memref_slice %arg16[%mul3A_75, %dma_wait3A_86] : memref<10240x16xf32, #tpu.memory_space<vmem_shared>> -> memref<640x16xf32, #tpu.memory_space<vmem_shared>>
      tpu.wait_dma2 semaphore(%run_scoped3A_78 : memref<!tpu.dma_semaphore, #tpu.memory_space<semaphore_mem>>) src(%dma_wait3A_87 : memref<640x16xf32, #tpu.memory_space<vmem_shared>>) dst(%dma_wait3A_85 : memref<640x16xf32, #tpu.memory_space<hbm>>)
      tpu.yield
    }) : () -> ()
    return
  }
}

#map = affine_map<(d0, d1) -> (0, 0)>
#map1 = affine_map<(d0, d1) -> (0, 0, 0)>
module attributes {stable_mosaic.version = 14 : i64} {
  func.func @seg_kernel(%arg0: i32, %arg1: i32, %arg2: memref<2x320000xi32, #tpu.memory_space<hbm>>, %arg3: memref<10240x128xf32, #tpu.memory_space<hbm>>, %arg4: memref<2x10240x128xf32, #tpu.memory_space<hbm>>, %arg5: memref<10000xi32, #tpu.memory_space<vmem>>, %arg6: memref<80xi32, #tpu.memory_space<vmem>>, %arg7: memref<80xi32, #tpu.memory_space<vmem>>, %arg8: memref<80xi32, #tpu.memory_space<vmem>>, %arg9: memref<80x128xf32, #tpu.memory_space<vmem>>, %arg10: memref<80x128xf32, #tpu.memory_space<vmem>>, %arg11: memref<80x128xf32, #tpu.memory_space<vmem>>, %arg12: memref<10240x128xf32, #tpu.memory_space<vmem_shared>>, %arg13: memref<!tpu.dma_semaphore, #tpu.memory_space<semaphore_mem>>, %arg14: memref<!tpu.dma_semaphore, #tpu.memory_space<semaphore_mem>>, %arg15: memref<!tpu.dma_semaphore, #tpu.memory_space<semaphore_mem>>, %arg16: memref<!tpu.dma_semaphore, #tpu.memory_space<semaphore_mem>>, %arg17: memref<!tpu.dma_semaphore, #tpu.memory_space<semaphore_mem>>, %arg18: memref<!tpu.dma_semaphore, #tpu.memory_space<semaphore_mem>>) attributes {dimension_semantics = [#tpu.dimension_semantics<core_parallel>, #tpu.dimension_semantics<subcore_parallel>], iteration_bounds = array<i64: 2, 16>, scalar_prefetch = 0 : i64, scratch_operands = 14 : i64, tpu.core_type = #tpu.core_type<sc_vector_subcore>, window_params = [{transform_indices = #map}, {transform_indices = #map}, {transform_indices = #map1}]} {
    %mul3A = arith.constant 2 : i32
    %mul3A_0 = arith.muli %arg1, %mul3A : i32
    %add3A = arith.addi %mul3A_0, %arg0 : i32
    %mul3A_1 = arith.constant 10000 : i32
    %mul3A_2 = arith.muli %add3A, %mul3A_1 : i32
    %eq3A = arith.constant 0 : i32
    %eq3A_3 = arith.cmpi eq, %arg0, %eq3A : i32
    %convert_element_type3A = arith.extui %eq3A_3 : i1 to i32
    %cond3A = arith.constant 0 : i32
    %cond3A_4 = arith.cmpi ne, %convert_element_type3A, %cond3A : i32
    scf.if %cond3A_4 {
      %mul3A_77 = arith.constant 640 : i32
      %mul3A_78 = arith.muli %arg1, %mul3A_77 : i32
      %mul3A_79 = arith.constant 640 : i32
      %mul3A_80 = arith.muli %arg1, %mul3A_79 : i32
      "tpu.region"() ({
        %run_scoped3A_81 = tpu.sem_alloc : memref<!tpu.dma_semaphore, #tpu.memory_space<semaphore_mem>>
        %dma_start3A_82 = arith.constant 0 : i32
        %dma_start3A_83 = tpu.memref_slice %arg12[%mul3A_80, %dma_start3A_82] : memref<10240x128xf32, #tpu.memory_space<vmem_shared>> -> memref<640x128xf32, #tpu.memory_space<vmem_shared>>
        %dma_start3A_84 = arith.constant 0 : i32
        %dma_start3A_85 = tpu.memref_slice %arg3[%mul3A_78, %dma_start3A_84] : memref<10240x128xf32, #tpu.memory_space<hbm>> -> memref<640x128xf32, #tpu.memory_space<hbm>>
        tpu.enqueue_dma source(%dma_start3A_85 : memref<640x128xf32, #tpu.memory_space<hbm>>) target(%dma_start3A_83 : memref<640x128xf32, #tpu.memory_space<vmem_shared>>) target_semaphore(%run_scoped3A_81 : memref<!tpu.dma_semaphore, #tpu.memory_space<semaphore_mem>>)
        %dma_wait3A_86 = arith.constant 0 : i32
        %dma_wait3A_87 = tpu.memref_slice %arg12[%mul3A_80, %dma_wait3A_86] : memref<10240x128xf32, #tpu.memory_space<vmem_shared>> -> memref<640x128xf32, #tpu.memory_space<vmem_shared>>
        %dma_wait3A_88 = arith.constant 0 : i32
        %dma_wait3A_89 = tpu.memref_slice %arg3[%mul3A_78, %dma_wait3A_88] : memref<10240x128xf32, #tpu.memory_space<hbm>> -> memref<640x128xf32, #tpu.memory_space<hbm>>
        tpu.wait_dma2 semaphore(%run_scoped3A_81 : memref<!tpu.dma_semaphore, #tpu.memory_space<semaphore_mem>>) src(%dma_wait3A_89 : memref<640x128xf32, #tpu.memory_space<hbm>>) dst(%dma_wait3A_87 : memref<640x128xf32, #tpu.memory_space<vmem_shared>>)
        tpu.yield
      }) : () -> ()
    } else {
    }
    %ne3A = arith.constant 0 : i32
    %ne3A_5 = arith.cmpi ne, %arg0, %ne3A : i32
    %convert_element_type3A_6 = arith.extui %ne3A_5 : i1 to i32
    %cond3A_7 = arith.constant 0 : i32
    %cond3A_8 = arith.cmpi ne, %convert_element_type3A_6, %cond3A_7 : i32
    scf.if %cond3A_8 {
      %broadcast_in_dim3A = arith.constant 0.000000e+00 : f32
      %broadcast_in_dim3A_77 = vector.broadcast %broadcast_in_dim3A : f32 to vector<16xf32>
      %scan3A_78 = arith.constant 0 : i32
      %scan3A_79 = arith.constant 0 : i32
      %scan3A_80 = arith.constant 80 : i32
      %scan3A_81 = arith.addi %scan3A_79, %scan3A_80 : i32
      %scan3A_82 = arith.constant 1 : i32
      scf.for %scan3A_116 = %scan3A_79 to %scan3A_81 step %scan3A_82  : i32 {
        %swap3A = arith.index_cast %scan3A_116 : i32 to index
        %swap3A_117 = arith.constant 0 : index
        %swap3A_118 = tpu.vector_load %arg9[%swap3A, %swap3A_117] {strides = array<i32>} : memref<80x128xf32, #tpu.memory_space<vmem>>, vector<1x16xf32>,
        %swap3A_119 = vector.shape_cast %swap3A_118 : vector<1x16xf32> to vector<16xf32>
        %swap3A_120 = vector.shape_cast %broadcast_in_dim3A_77 : vector<16xf32> to vector<1x16xf32>
        tpu.vector_store %arg9[%swap3A, %swap3A_117], %swap3A_120 {strides = array<i32>} : memref<80x128xf32, #tpu.memory_space<vmem>>, vector<1x16xf32>,
        %swap3A_121 = arith.index_cast %scan3A_116 : i32 to index
        %swap3A_122 = arith.constant 16 : index
        %swap3A_123 = tpu.vector_load %arg9[%swap3A_121, %swap3A_122] {strides = array<i32>} : memref<80x128xf32, #tpu.memory_space<vmem>>, vector<1x16xf32>,
        %swap3A_124 = vector.shape_cast %swap3A_123 : vector<1x16xf32> to vector<16xf32>
        %swap3A_125 = vector.shape_cast %broadcast_in_dim3A_77 : vector<16xf32> to vector<1x16xf32>
        tpu.vector_store %arg9[%swap3A_121, %swap3A_122], %swap3A_125 {strides = array<i32>} : memref<80x128xf32, #tpu.memory_space<vmem>>, vector<1x16xf32>,
        %swap3A_126 = arith.index_cast %scan3A_116 : i32 to index
        %swap3A_127 = arith.constant 32 : index
        %swap3A_128 = tpu.vector_load %arg9[%swap3A_126, %swap3A_127] {strides = array<i32>} : memref<80x128xf32, #tpu.memory_space<vmem>>, vector<1x16xf32>,
        %swap3A_129 = vector.shape_cast %swap3A_128 : vector<1x16xf32> to vector<16xf32>
        %swap3A_130 = vector.shape_cast %broadcast_in_dim3A_77 : vector<16xf32> to vector<1x16xf32>
        tpu.vector_store %arg9[%swap3A_126, %swap3A_127], %swap3A_130 {strides = array<i32>} : memref<80x128xf32, #tpu.memory_space<vmem>>, vector<1x16xf32>,
        %swap3A_131 = arith.index_cast %scan3A_116 : i32 to index
        %swap3A_132 = arith.constant 48 : index
        %swap3A_133 = tpu.vector_load %arg9[%swap3A_131, %swap3A_132] {strides = array<i32>} : memref<80x128xf32, #tpu.memory_space<vmem>>, vector<1x16xf32>,
        %swap3A_134 = vector.shape_cast %swap3A_133 : vector<1x16xf32> to vector<16xf32>
        %swap3A_135 = vector.shape_cast %broadcast_in_dim3A_77 : vector<16xf32> to vector<1x16xf32>
        tpu.vector_store %arg9[%swap3A_131, %swap3A_132], %swap3A_135 {strides = array<i32>} : memref<80x128xf32, #tpu.memory_space<vmem>>, vector<1x16xf32>,
        %swap3A_136 = arith.index_cast %scan3A_116 : i32 to index
        %swap3A_137 = arith.constant 64 : index
        %swap3A_138 = tpu.vector_load %arg9[%swap3A_136, %swap3A_137] {strides = array<i32>} : memref<80x128xf32, #tpu.memory_space<vmem>>, vector<1x16xf32>,
        %swap3A_139 = vector.shape_cast %swap3A_138 : vector<1x16xf32> to vector<16xf32>
        %swap3A_140 = vector.shape_cast %broadcast_in_dim3A_77 : vector<16xf32> to vector<1x16xf32>
        tpu.vector_store %arg9[%swap3A_136, %swap3A_137], %swap3A_140 {strides = array<i32>} : memref<80x128xf32, #tpu.memory_space<vmem>>, vector<1x16xf32>,
        %swap3A_141 = arith.index_cast %scan3A_116 : i32 to index
        %swap3A_142 = arith.constant 80 : index
        %swap3A_143 = tpu.vector_load %arg9[%swap3A_141, %swap3A_142] {strides = array<i32>} : memref<80x128xf32, #tpu.memory_space<vmem>>, vector<1x16xf32>,
        %swap3A_144 = vector.shape_cast %swap3A_143 : vector<1x16xf32> to vector<16xf32>
        %swap3A_145 = vector.shape_cast %broadcast_in_dim3A_77 : vector<16xf32> to vector<1x16xf32>
        tpu.vector_store %arg9[%swap3A_141, %swap3A_142], %swap3A_145 {strides = array<i32>} : memref<80x128xf32, #tpu.memory_space<vmem>>, vector<1x16xf32>,
        %swap3A_146 = arith.index_cast %scan3A_116 : i32 to index
        %swap3A_147 = arith.constant 96 : index
        %swap3A_148 = tpu.vector_load %arg9[%swap3A_146, %swap3A_147] {strides = array<i32>} : memref<80x128xf32, #tpu.memory_space<vmem>>, vector<1x16xf32>,
        %swap3A_149 = vector.shape_cast %swap3A_148 : vector<1x16xf32> to vector<16xf32>
        %swap3A_150 = vector.shape_cast %broadcast_in_dim3A_77 : vector<16xf32> to vector<1x16xf32>
        tpu.vector_store %arg9[%swap3A_146, %swap3A_147], %swap3A_150 {strides = array<i32>} : memref<80x128xf32, #tpu.memory_space<vmem>>, vector<1x16xf32>,
        %swap3A_151 = arith.index_cast %scan3A_116 : i32 to index
        %swap3A_152 = arith.constant 112 : index
        %swap3A_153 = tpu.vector_load %arg9[%swap3A_151, %swap3A_152] {strides = array<i32>} : memref<80x128xf32, #tpu.memory_space<vmem>>, vector<1x16xf32>,
        %swap3A_154 = vector.shape_cast %swap3A_153 : vector<1x16xf32> to vector<16xf32>
        %swap3A_155 = vector.shape_cast %broadcast_in_dim3A_77 : vector<16xf32> to vector<1x16xf32>
        tpu.vector_store %arg9[%swap3A_151, %swap3A_152], %swap3A_155 {strides = array<i32>} : memref<80x128xf32, #tpu.memory_space<vmem>>, vector<1x16xf32>,
      }
      %scan3A_83 = arith.constant 80 : i32
      %mul3A_84 = arith.constant 640 : i32
      %mul3A_85 = arith.muli %arg1, %mul3A_84 : i32
      %add3A_86 = arith.constant 0 : i32
      %add3A_87 = arith.addi %mul3A_85, %add3A_86 : i32
      "tpu.region"() ({
        %run_scoped3A_116 = tpu.sem_alloc : memref<!tpu.dma_semaphore, #tpu.memory_space<semaphore_mem>>
        %dma_start3A_117 = arith.constant 0 : i32
        %dma_start3A_118 = tpu.memref_slice %arg12[%add3A_87, %dma_start3A_117] : memref<10240x128xf32, #tpu.memory_space<vmem_shared>> -> memref<80x128xf32, #tpu.memory_space<vmem_shared>>
        %dma_start3A_119 = arith.constant 0 : i32
        %dma_start3A_120 = tpu.memref_slice %arg12[%add3A_87, %dma_start3A_119] : memref<10240x128xf32, #tpu.memory_space<vmem_shared>> -> memref<80x128xf32, #tpu.memory_space<vmem_shared>>
        tpu.enqueue_dma source(%arg9 : memref<80x128xf32, #tpu.memory_space<vmem>>) target(%dma_start3A_120 : memref<80x128xf32, #tpu.memory_space<vmem_shared>>) target_semaphore(%run_scoped3A_116 : memref<!tpu.dma_semaphore, #tpu.memory_space<semaphore_mem>>)
        %dma_wait3A_121 = arith.constant 0 : i32
        %dma_wait3A_122 = tpu.memref_slice %arg12[%add3A_87, %dma_wait3A_121] : memref<10240x128xf32, #tpu.memory_space<vmem_shared>> -> memref<80x128xf32, #tpu.memory_space<vmem_shared>>
        %dma_wait3A_123 = arith.constant 0 : i32
        %dma_wait3A_124 = tpu.memref_slice %arg12[%add3A_87, %dma_wait3A_123] : memref<10240x128xf32, #tpu.memory_space<vmem_shared>> -> memref<80x128xf32, #tpu.memory_space<vmem_shared>>
        tpu.wait_dma2 semaphore(%run_scoped3A_116 : memref<!tpu.dma_semaphore, #tpu.memory_space<semaphore_mem>>) src(%arg9 : memref<80x128xf32, #tpu.memory_space<vmem>>) dst(%dma_wait3A_124 : memref<80x128xf32, #tpu.memory_space<vmem_shared>>)
        tpu.yield
      }) : () -> ()
      %mul3A_88 = arith.constant 640 : i32
      %mul3A_89 = arith.muli %arg1, %mul3A_88 : i32
      %add3A_90 = arith.constant 80 : i32
      %add3A_91 = arith.addi %mul3A_89, %add3A_90 : i32
      "tpu.region"() ({
        %run_scoped3A_116 = tpu.sem_alloc : memref<!tpu.dma_semaphore, #tpu.memory_space<semaphore_mem>>
        %dma_start3A_117 = arith.constant 0 : i32
        %dma_start3A_118 = tpu.memref_slice %arg12[%add3A_91, %dma_start3A_117] : memref<10240x128xf32, #tpu.memory_space<vmem_shared>> -> memref<80x128xf32, #tpu.memory_space<vmem_shared>>
        %dma_start3A_119 = arith.constant 0 : i32
        %dma_start3A_120 = tpu.memref_slice %arg12[%add3A_91, %dma_start3A_119] : memref<10240x128xf32, #tpu.memory_space<vmem_shared>> -> memref<80x128xf32, #tpu.memory_space<vmem_shared>>
        tpu.enqueue_dma source(%arg9 : memref<80x128xf32, #tpu.memory_space<vmem>>) target(%dma_start3A_120 : memref<80x128xf32, #tpu.memory_space<vmem_shared>>) target_semaphore(%run_scoped3A_116 : memref<!tpu.dma_semaphore, #tpu.memory_space<semaphore_mem>>)
        %dma_wait3A_121 = arith.constant 0 : i32
        %dma_wait3A_122 = tpu.memref_slice %arg12[%add3A_91, %dma_wait3A_121] : memref<10240x128xf32, #tpu.memory_space<vmem_shared>> -> memref<80x128xf32, #tpu.memory_space<vmem_shared>>
        %dma_wait3A_123 = arith.constant 0 : i32
        %dma_wait3A_124 = tpu.memref_slice %arg12[%add3A_91, %dma_wait3A_123] : memref<10240x128xf32, #tpu.memory_space<vmem_shared>> -> memref<80x128xf32, #tpu.memory_space<vmem_shared>>
        tpu.wait_dma2 semaphore(%run_scoped3A_116 : memref<!tpu.dma_semaphore, #tpu.memory_space<semaphore_mem>>) src(%arg9 : memref<80x128xf32, #tpu.memory_space<vmem>>) dst(%dma_wait3A_124 : memref<80x128xf32, #tpu.memory_space<vmem_shared>>)
        tpu.yield
      }) : () -> ()
      %mul3A_92 = arith.constant 640 : i32
      %mul3A_93 = arith.muli %arg1, %mul3A_92 : i32
      %add3A_94 = arith.constant 160 : i32
      %add3A_95 = arith.addi %mul3A_93, %add3A_94 : i32
      "tpu.region"() ({
        %run_scoped3A_116 = tpu.sem_alloc : memref<!tpu.dma_semaphore, #tpu.memory_space<semaphore_mem>>
        %dma_start3A_117 = arith.constant 0 : i32
        %dma_start3A_118 = tpu.memref_slice %arg12[%add3A_95, %dma_start3A_117] : memref<10240x128xf32, #tpu.memory_space<vmem_shared>> -> memref<80x128xf32, #tpu.memory_space<vmem_shared>>
        %dma_start3A_119 = arith.constant 0 : i32
        %dma_start3A_120 = tpu.memref_slice %arg12[%add3A_95, %dma_start3A_119] : memref<10240x128xf32, #tpu.memory_space<vmem_shared>> -> memref<80x128xf32, #tpu.memory_space<vmem_shared>>
        tpu.enqueue_dma source(%arg9 : memref<80x128xf32, #tpu.memory_space<vmem>>) target(%dma_start3A_120 : memref<80x128xf32, #tpu.memory_space<vmem_shared>>) target_semaphore(%run_scoped3A_116 : memref<!tpu.dma_semaphore, #tpu.memory_space<semaphore_mem>>)
        %dma_wait3A_121 = arith.constant 0 : i32
        %dma_wait3A_122 = tpu.memref_slice %arg12[%add3A_95, %dma_wait3A_121] : memref<10240x128xf32, #tpu.memory_space<vmem_shared>> -> memref<80x128xf32, #tpu.memory_space<vmem_shared>>
        %dma_wait3A_123 = arith.constant 0 : i32
        %dma_wait3A_124 = tpu.memref_slice %arg12[%add3A_95, %dma_wait3A_123] : memref<10240x128xf32, #tpu.memory_space<vmem_shared>> -> memref<80x128xf32, #tpu.memory_space<vmem_shared>>
        tpu.wait_dma2 semaphore(%run_scoped3A_116 : memref<!tpu.dma_semaphore, #tpu.memory_space<semaphore_mem>>) src(%arg9 : memref<80x128xf32, #tpu.memory_space<vmem>>) dst(%dma_wait3A_124 : memref<80x128xf32, #tpu.memory_space<vmem_shared>>)
        tpu.yield
      }) : () -> ()
      %mul3A_96 = arith.constant 640 : i32
      %mul3A_97 = arith.muli %arg1, %mul3A_96 : i32
      %add3A_98 = arith.constant 240 : i32
      %add3A_99 = arith.addi %mul3A_97, %add3A_98 : i32
      "tpu.region"() ({
        %run_scoped3A_116 = tpu.sem_alloc : memref<!tpu.dma_semaphore, #tpu.memory_space<semaphore_mem>>
        %dma_start3A_117 = arith.constant 0 : i32
        %dma_start3A_118 = tpu.memref_slice %arg12[%add3A_99, %dma_start3A_117] : memref<10240x128xf32, #tpu.memory_space<vmem_shared>> -> memref<80x128xf32, #tpu.memory_space<vmem_shared>>
        %dma_start3A_119 = arith.constant 0 : i32
        %dma_start3A_120 = tpu.memref_slice %arg12[%add3A_99, %dma_start3A_119] : memref<10240x128xf32, #tpu.memory_space<vmem_shared>> -> memref<80x128xf32, #tpu.memory_space<vmem_shared>>
        tpu.enqueue_dma source(%arg9 : memref<80x128xf32, #tpu.memory_space<vmem>>) target(%dma_start3A_120 : memref<80x128xf32, #tpu.memory_space<vmem_shared>>) target_semaphore(%run_scoped3A_116 : memref<!tpu.dma_semaphore, #tpu.memory_space<semaphore_mem>>)
        %dma_wait3A_121 = arith.constant 0 : i32
        %dma_wait3A_122 = tpu.memref_slice %arg12[%add3A_99, %dma_wait3A_121] : memref<10240x128xf32, #tpu.memory_space<vmem_shared>> -> memref<80x128xf32, #tpu.memory_space<vmem_shared>>
        %dma_wait3A_123 = arith.constant 0 : i32
        %dma_wait3A_124 = tpu.memref_slice %arg12[%add3A_99, %dma_wait3A_123] : memref<10240x128xf32, #tpu.memory_space<vmem_shared>> -> memref<80x128xf32, #tpu.memory_space<vmem_shared>>
        tpu.wait_dma2 semaphore(%run_scoped3A_116 : memref<!tpu.dma_semaphore, #tpu.memory_space<semaphore_mem>>) src(%arg9 : memref<80x128xf32, #tpu.memory_space<vmem>>) dst(%dma_wait3A_124 : memref<80x128xf32, #tpu.memory_space<vmem_shared>>)
        tpu.yield
      }) : () -> ()
      %mul3A_100 = arith.constant 640 : i32
      %mul3A_101 = arith.muli %arg1, %mul3A_100 : i32
      %add3A_102 = arith.constant 320 : i32
      %add3A_103 = arith.addi %mul3A_101, %add3A_102 : i32
      "tpu.region"() ({
        %run_scoped3A_116 = tpu.sem_alloc : memref<!tpu.dma_semaphore, #tpu.memory_space<semaphore_mem>>
        %dma_start3A_117 = arith.constant 0 : i32
        %dma_start3A_118 = tpu.memref_slice %arg12[%add3A_103, %dma_start3A_117] : memref<10240x128xf32, #tpu.memory_space<vmem_shared>> -> memref<80x128xf32, #tpu.memory_space<vmem_shared>>
        %dma_start3A_119 = arith.constant 0 : i32
        %dma_start3A_120 = tpu.memref_slice %arg12[%add3A_103, %dma_start3A_119] : memref<10240x128xf32, #tpu.memory_space<vmem_shared>> -> memref<80x128xf32, #tpu.memory_space<vmem_shared>>
        tpu.enqueue_dma source(%arg9 : memref<80x128xf32, #tpu.memory_space<vmem>>) target(%dma_start3A_120 : memref<80x128xf32, #tpu.memory_space<vmem_shared>>) target_semaphore(%run_scoped3A_116 : memref<!tpu.dma_semaphore, #tpu.memory_space<semaphore_mem>>)
        %dma_wait3A_121 = arith.constant 0 : i32
        %dma_wait3A_122 = tpu.memref_slice %arg12[%add3A_103, %dma_wait3A_121] : memref<10240x128xf32, #tpu.memory_space<vmem_shared>> -> memref<80x128xf32, #tpu.memory_space<vmem_shared>>
        %dma_wait3A_123 = arith.constant 0 : i32
        %dma_wait3A_124 = tpu.memref_slice %arg12[%add3A_103, %dma_wait3A_123] : memref<10240x128xf32, #tpu.memory_space<vmem_shared>> -> memref<80x128xf32, #tpu.memory_space<vmem_shared>>
        tpu.wait_dma2 semaphore(%run_scoped3A_116 : memref<!tpu.dma_semaphore, #tpu.memory_space<semaphore_mem>>) src(%arg9 : memref<80x128xf32, #tpu.memory_space<vmem>>) dst(%dma_wait3A_124 : memref<80x128xf32, #tpu.memory_space<vmem_shared>>)
        tpu.yield
      }) : () -> ()
      %mul3A_104 = arith.constant 640 : i32
      %mul3A_105 = arith.muli %arg1, %mul3A_104 : i32
      %add3A_106 = arith.constant 400 : i32
      %add3A_107 = arith.addi %mul3A_105, %add3A_106 : i32
      "tpu.region"() ({
        %run_scoped3A_116 = tpu.sem_alloc : memref<!tpu.dma_semaphore, #tpu.memory_space<semaphore_mem>>
        %dma_start3A_117 = arith.constant 0 : i32
        %dma_start3A_118 = tpu.memref_slice %arg12[%add3A_107, %dma_start3A_117] : memref<10240x128xf32, #tpu.memory_space<vmem_shared>> -> memref<80x128xf32, #tpu.memory_space<vmem_shared>>
        %dma_start3A_119 = arith.constant 0 : i32
        %dma_start3A_120 = tpu.memref_slice %arg12[%add3A_107, %dma_start3A_119] : memref<10240x128xf32, #tpu.memory_space<vmem_shared>> -> memref<80x128xf32, #tpu.memory_space<vmem_shared>>
        tpu.enqueue_dma source(%arg9 : memref<80x128xf32, #tpu.memory_space<vmem>>) target(%dma_start3A_120 : memref<80x128xf32, #tpu.memory_space<vmem_shared>>) target_semaphore(%run_scoped3A_116 : memref<!tpu.dma_semaphore, #tpu.memory_space<semaphore_mem>>)
        %dma_wait3A_121 = arith.constant 0 : i32
        %dma_wait3A_122 = tpu.memref_slice %arg12[%add3A_107, %dma_wait3A_121] : memref<10240x128xf32, #tpu.memory_space<vmem_shared>> -> memref<80x128xf32, #tpu.memory_space<vmem_shared>>
        %dma_wait3A_123 = arith.constant 0 : i32
        %dma_wait3A_124 = tpu.memref_slice %arg12[%add3A_107, %dma_wait3A_123] : memref<10240x128xf32, #tpu.memory_space<vmem_shared>> -> memref<80x128xf32, #tpu.memory_space<vmem_shared>>
        tpu.wait_dma2 semaphore(%run_scoped3A_116 : memref<!tpu.dma_semaphore, #tpu.memory_space<semaphore_mem>>) src(%arg9 : memref<80x128xf32, #tpu.memory_space<vmem>>) dst(%dma_wait3A_124 : memref<80x128xf32, #tpu.memory_space<vmem_shared>>)
        tpu.yield
      }) : () -> ()
      %mul3A_108 = arith.constant 640 : i32
      %mul3A_109 = arith.muli %arg1, %mul3A_108 : i32
      %add3A_110 = arith.constant 480 : i32
      %add3A_111 = arith.addi %mul3A_109, %add3A_110 : i32
      "tpu.region"() ({
        %run_scoped3A_116 = tpu.sem_alloc : memref<!tpu.dma_semaphore, #tpu.memory_space<semaphore_mem>>
        %dma_start3A_117 = arith.constant 0 : i32
        %dma_start3A_118 = tpu.memref_slice %arg12[%add3A_111, %dma_start3A_117] : memref<10240x128xf32, #tpu.memory_space<vmem_shared>> -> memref<80x128xf32, #tpu.memory_space<vmem_shared>>
        %dma_start3A_119 = arith.constant 0 : i32
        %dma_start3A_120 = tpu.memref_slice %arg12[%add3A_111, %dma_start3A_119] : memref<10240x128xf32, #tpu.memory_space<vmem_shared>> -> memref<80x128xf32, #tpu.memory_space<vmem_shared>>
        tpu.enqueue_dma source(%arg9 : memref<80x128xf32, #tpu.memory_space<vmem>>) target(%dma_start3A_120 : memref<80x128xf32, #tpu.memory_space<vmem_shared>>) target_semaphore(%run_scoped3A_116 : memref<!tpu.dma_semaphore, #tpu.memory_space<semaphore_mem>>)
        %dma_wait3A_121 = arith.constant 0 : i32
        %dma_wait3A_122 = tpu.memref_slice %arg12[%add3A_111, %dma_wait3A_121] : memref<10240x128xf32, #tpu.memory_space<vmem_shared>> -> memref<80x128xf32, #tpu.memory_space<vmem_shared>>
        %dma_wait3A_123 = arith.constant 0 : i32
        %dma_wait3A_124 = tpu.memref_slice %arg12[%add3A_111, %dma_wait3A_123] : memref<10240x128xf32, #tpu.memory_space<vmem_shared>> -> memref<80x128xf32, #tpu.memory_space<vmem_shared>>
        tpu.wait_dma2 semaphore(%run_scoped3A_116 : memref<!tpu.dma_semaphore, #tpu.memory_space<semaphore_mem>>) src(%arg9 : memref<80x128xf32, #tpu.memory_space<vmem>>) dst(%dma_wait3A_124 : memref<80x128xf32, #tpu.memory_space<vmem_shared>>)
        tpu.yield
      }) : () -> ()
      %mul3A_112 = arith.constant 640 : i32
      %mul3A_113 = arith.muli %arg1, %mul3A_112 : i32
      %add3A_114 = arith.constant 560 : i32
      %add3A_115 = arith.addi %mul3A_113, %add3A_114 : i32
      "tpu.region"() ({
        %run_scoped3A_116 = tpu.sem_alloc : memref<!tpu.dma_semaphore, #tpu.memory_space<semaphore_mem>>
        %dma_start3A_117 = arith.constant 0 : i32
        %dma_start3A_118 = tpu.memref_slice %arg12[%add3A_115, %dma_start3A_117] : memref<10240x128xf32, #tpu.memory_space<vmem_shared>> -> memref<80x128xf32, #tpu.memory_space<vmem_shared>>
        %dma_start3A_119 = arith.constant 0 : i32
        %dma_start3A_120 = tpu.memref_slice %arg12[%add3A_115, %dma_start3A_119] : memref<10240x128xf32, #tpu.memory_space<vmem_shared>> -> memref<80x128xf32, #tpu.memory_space<vmem_shared>>
        tpu.enqueue_dma source(%arg9 : memref<80x128xf32, #tpu.memory_space<vmem>>) target(%dma_start3A_120 : memref<80x128xf32, #tpu.memory_space<vmem_shared>>) target_semaphore(%run_scoped3A_116 : memref<!tpu.dma_semaphore, #tpu.memory_space<semaphore_mem>>)
        %dma_wait3A_121 = arith.constant 0 : i32
        %dma_wait3A_122 = tpu.memref_slice %arg12[%add3A_115, %dma_wait3A_121] : memref<10240x128xf32, #tpu.memory_space<vmem_shared>> -> memref<80x128xf32, #tpu.memory_space<vmem_shared>>
        %dma_wait3A_123 = arith.constant 0 : i32
        %dma_wait3A_124 = tpu.memref_slice %arg12[%add3A_115, %dma_wait3A_123] : memref<10240x128xf32, #tpu.memory_space<vmem_shared>> -> memref<80x128xf32, #tpu.memory_space<vmem_shared>>
        tpu.wait_dma2 semaphore(%run_scoped3A_116 : memref<!tpu.dma_semaphore, #tpu.memory_space<semaphore_mem>>) src(%arg9 : memref<80x128xf32, #tpu.memory_space<vmem>>) dst(%dma_wait3A_124 : memref<80x128xf32, #tpu.memory_space<vmem_shared>>)
        tpu.yield
      }) : () -> ()
    } else {
    }
    %run_scoped3A = arith.constant 0 : i32
    "tpu.region"() ({
      %run_scoped3A_77 = tpu.sem_alloc : memref<!tpu.dma_semaphore, #tpu.memory_space<semaphore_mem>>
      %dma_start3A_78 = tpu.memref_slice %arg2[%run_scoped3A, %mul3A_2] : memref<2x320000xi32, #tpu.memory_space<hbm>> -> memref<1x10000xi32, #tpu.memory_space<hbm>>
      %dma_start3A_79 = tpu.memref_squeeze %dma_start3A_78 : memref<1x10000xi32, #tpu.memory_space<hbm>> -> memref<10000xi32, #tpu.memory_space<hbm>>
      %dma_start3A_80 = tpu.memref_slice %arg2[%run_scoped3A, %mul3A_2] : memref<2x320000xi32, #tpu.memory_space<hbm>> -> memref<1x10000xi32, #tpu.memory_space<hbm>>
      %dma_start3A_81 = tpu.memref_squeeze %dma_start3A_80 : memref<1x10000xi32, #tpu.memory_space<hbm>> -> memref<10000xi32, #tpu.memory_space<hbm>>
      tpu.enqueue_dma source(%dma_start3A_81 : memref<10000xi32, #tpu.memory_space<hbm>>) target(%arg5 : memref<10000xi32, #tpu.memory_space<vmem>>) target_semaphore(%run_scoped3A_77 : memref<!tpu.dma_semaphore, #tpu.memory_space<semaphore_mem>>)
      %dma_wait3A_82 = tpu.memref_slice %arg2[%run_scoped3A, %mul3A_2] : memref<2x320000xi32, #tpu.memory_space<hbm>> -> memref<1x10000xi32, #tpu.memory_space<hbm>>
      %dma_wait3A_83 = tpu.memref_squeeze %dma_wait3A_82 : memref<1x10000xi32, #tpu.memory_space<hbm>> -> memref<10000xi32, #tpu.memory_space<hbm>>
      %dma_wait3A_84 = tpu.memref_slice %arg2[%run_scoped3A, %mul3A_2] : memref<2x320000xi32, #tpu.memory_space<hbm>> -> memref<1x10000xi32, #tpu.memory_space<hbm>>
      %dma_wait3A_85 = tpu.memref_squeeze %dma_wait3A_84 : memref<1x10000xi32, #tpu.memory_space<hbm>> -> memref<10000xi32, #tpu.memory_space<hbm>>
      tpu.wait_dma2 semaphore(%run_scoped3A_77 : memref<!tpu.dma_semaphore, #tpu.memory_space<semaphore_mem>>) src(%dma_wait3A_85 : memref<10000xi32, #tpu.memory_space<hbm>>) dst(%arg5 : memref<10000xi32, #tpu.memory_space<vmem>>)
      tpu.yield
    }) : () -> ()
    %barrier3A = arith.constant 0 : index
    tpu.barrier barrier_id(%barrier3A)
    %add3A_9 = arith.constant 0 : i32
    %add3A_10 = arith.addi %mul3A_2, %add3A_9 : i32
    %dma_start3A = arith.constant 1 : i32
    %dma_start3A_11 = tpu.memref_slice %arg2[%dma_start3A, %add3A_10] : memref<2x320000xi32, #tpu.memory_space<hbm>> -> memref<1x80xi32, #tpu.memory_space<hbm>>
    %dma_start3A_12 = tpu.memref_squeeze %dma_start3A_11 : memref<1x80xi32, #tpu.memory_space<hbm>> -> memref<80xi32, #tpu.memory_space<hbm>>
    %dma_start3A_13 = tpu.memref_slice %arg2[%dma_start3A, %add3A_10] : memref<2x320000xi32, #tpu.memory_space<hbm>> -> memref<1x80xi32, #tpu.memory_space<hbm>>
    %dma_start3A_14 = tpu.memref_squeeze %dma_start3A_13 : memref<1x80xi32, #tpu.memory_space<hbm>> -> memref<80xi32, #tpu.memory_space<hbm>>
    tpu.enqueue_dma source(%dma_start3A_14 : memref<80xi32, #tpu.memory_space<hbm>>) target(%arg6 : memref<80xi32, #tpu.memory_space<vmem>>) target_semaphore(%arg16 : memref<!tpu.dma_semaphore, #tpu.memory_space<semaphore_mem>>)
    %dma_start3A_15 = arith.constant 0 : i32
    %dma_start3A_16 = tpu.memref_slice %arg5[%dma_start3A_15] : memref<10000xi32, #tpu.memory_space<vmem>> -> memref<80xi32, #tpu.memory_space<vmem>>
    %dma_start3A_17 = arith.constant 0 : i32
    %dma_start3A_18 = arith.constant 0 : i32
    %dma_start3A_19 = tpu.memref_slice %arg3[%dma_start3A_17, %dma_start3A_18] : memref<10240x128xf32, #tpu.memory_space<hbm>> -> memref<10240x128xf32, #tpu.memory_space<hbm>>
    tpu.enqueue_indirect_dma source(%dma_start3A_19 : memref<10240x128xf32, #tpu.memory_space<hbm>>) target(%arg9 : memref<80x128xf32, #tpu.memory_space<vmem>>) offsets(%dma_start3A_16 : memref<80xi32, #tpu.memory_space<vmem>>) semaphore(%arg13 : memref<!tpu.dma_semaphore, #tpu.memory_space<semaphore_mem>>)
    %add3A_20 = arith.constant 80 : i32
    %add3A_21 = arith.addi %mul3A_2, %add3A_20 : i32
    %dma_start3A_22 = arith.constant 1 : i32
    %dma_start3A_23 = tpu.memref_slice %arg2[%dma_start3A_22, %add3A_21] : memref<2x320000xi32, #tpu.memory_space<hbm>> -> memref<1x80xi32, #tpu.memory_space<hbm>>
    %dma_start3A_24 = tpu.memref_squeeze %dma_start3A_23 : memref<1x80xi32, #tpu.memory_space<hbm>> -> memref<80xi32, #tpu.memory_space<hbm>>
    %dma_start3A_25 = tpu.memref_slice %arg2[%dma_start3A_22, %add3A_21] : memref<2x320000xi32, #tpu.memory_space<hbm>> -> memref<1x80xi32, #tpu.memory_space<hbm>>
    %dma_start3A_26 = tpu.memref_squeeze %dma_start3A_25 : memref<1x80xi32, #tpu.memory_space<hbm>> -> memref<80xi32, #tpu.memory_space<hbm>>
    tpu.enqueue_dma source(%dma_start3A_26 : memref<80xi32, #tpu.memory_space<hbm>>) target(%arg7 : memref<80xi32, #tpu.memory_space<vmem>>) target_semaphore(%arg17 : memref<!tpu.dma_semaphore, #tpu.memory_space<semaphore_mem>>)
    %dma_start3A_27 = arith.constant 80 : i32
    %dma_start3A_28 = tpu.memref_slice %arg5[%dma_start3A_27] : memref<10000xi32, #tpu.memory_space<vmem>> -> memref<80xi32, #tpu.memory_space<vmem>>
    %dma_start3A_29 = arith.constant 0 : i32
    %dma_start3A_30 = arith.constant 0 : i32
    %dma_start3A_31 = tpu.memref_slice %arg3[%dma_start3A_29, %dma_start3A_30] : memref<10240x128xf32, #tpu.memory_space<hbm>> -> memref<10240x128xf32, #tpu.memory_space<hbm>>
    tpu.enqueue_indirect_dma source(%dma_start3A_31 : memref<10240x128xf32, #tpu.memory_space<hbm>>) target(%arg10 : memref<80x128xf32, #tpu.memory_space<vmem>>) offsets(%dma_start3A_28 : memref<80xi32, #tpu.memory_space<vmem>>) semaphore(%arg14 : memref<!tpu.dma_semaphore, #tpu.memory_space<semaphore_mem>>)
    %add3A_32 = arith.constant 160 : i32
    %add3A_33 = arith.addi %mul3A_2, %add3A_32 : i32
    %dma_start3A_34 = arith.constant 1 : i32
    %dma_start3A_35 = tpu.memref_slice %arg2[%dma_start3A_34, %add3A_33] : memref<2x320000xi32, #tpu.memory_space<hbm>> -> memref<1x80xi32, #tpu.memory_space<hbm>>
    %dma_start3A_36 = tpu.memref_squeeze %dma_start3A_35 : memref<1x80xi32, #tpu.memory_space<hbm>> -> memref<80xi32, #tpu.memory_space<hbm>>
    %dma_start3A_37 = tpu.memref_slice %arg2[%dma_start3A_34, %add3A_33] : memref<2x320000xi32, #tpu.memory_space<hbm>> -> memref<1x80xi32, #tpu.memory_space<hbm>>
    %dma_start3A_38 = tpu.memref_squeeze %dma_start3A_37 : memref<1x80xi32, #tpu.memory_space<hbm>> -> memref<80xi32, #tpu.memory_space<hbm>>
    tpu.enqueue_dma source(%dma_start3A_38 : memref<80xi32, #tpu.memory_space<hbm>>) target(%arg8 : memref<80xi32, #tpu.memory_space<vmem>>) target_semaphore(%arg18 : memref<!tpu.dma_semaphore, #tpu.memory_space<semaphore_mem>>)
    %dma_start3A_39 = arith.constant 160 : i32
    %dma_start3A_40 = tpu.memref_slice %arg5[%dma_start3A_39] : memref<10000xi32, #tpu.memory_space<vmem>> -> memref<80xi32, #tpu.memory_space<vmem>>
    %dma_start3A_41 = arith.constant 0 : i32
    %dma_start3A_42 = arith.constant 0 : i32
    %dma_start3A_43 = tpu.memref_slice %arg3[%dma_start3A_41, %dma_start3A_42] : memref<10240x128xf32, #tpu.memory_space<hbm>> -> memref<10240x128xf32, #tpu.memory_space<hbm>>
    tpu.enqueue_indirect_dma source(%dma_start3A_43 : memref<10240x128xf32, #tpu.memory_space<hbm>>) target(%arg11 : memref<80x128xf32, #tpu.memory_space<vmem>>) offsets(%dma_start3A_40 : memref<80xi32, #tpu.memory_space<vmem>>) semaphore(%arg15 : memref<!tpu.dma_semaphore, #tpu.memory_space<semaphore_mem>>)
    %scan3A = arith.constant 0 : i32
    %scan3A_44 = arith.constant 0 : i32
    %scan3A_45 = arith.constant 41 : i32
    %scan3A_46 = arith.addi %scan3A_44, %scan3A_45 : i32
    %scan3A_47 = arith.constant 1 : i32
    scf.for %scan3A_77 = %scan3A_44 to %scan3A_46 step %scan3A_47  : i32 {
      %mul3A_78 = arith.constant 3 : i32
      %mul3A_79 = arith.muli %scan3A_77, %mul3A_78 : i32
      %add3A_80 = arith.constant 0 : i32
      %add3A_81 = arith.addi %mul3A_79, %add3A_80 : i32
      %mul3A_82 = arith.constant 80 : i32
      %mul3A_83 = arith.muli %add3A_81, %mul3A_82 : i32
      %add3A_84 = arith.addi %mul3A_2, %mul3A_83 : i32
      %dma_wait3A_85 = arith.constant 1 : i32
      %dma_wait3A_86 = tpu.memref_slice %arg2[%dma_wait3A_85, %add3A_84] : memref<2x320000xi32, #tpu.memory_space<hbm>> -> memref<1x80xi32, #tpu.memory_space<hbm>>
      %dma_wait3A_87 = tpu.memref_squeeze %dma_wait3A_86 : memref<1x80xi32, #tpu.memory_space<hbm>> -> memref<80xi32, #tpu.memory_space<hbm>>
      %dma_wait3A_88 = tpu.memref_slice %arg2[%dma_wait3A_85, %add3A_84] : memref<2x320000xi32, #tpu.memory_space<hbm>> -> memref<1x80xi32, #tpu.memory_space<hbm>>
      %dma_wait3A_89 = tpu.memref_squeeze %dma_wait3A_88 : memref<1x80xi32, #tpu.memory_space<hbm>> -> memref<80xi32, #tpu.memory_space<hbm>>
      tpu.wait_dma2 semaphore(%arg16 : memref<!tpu.dma_semaphore, #tpu.memory_space<semaphore_mem>>) src(%dma_wait3A_89 : memref<80xi32, #tpu.memory_space<hbm>>) dst(%arg6 : memref<80xi32, #tpu.memory_space<vmem>>)
      %mul3A_90 = arith.constant 80 : i32
      %mul3A_91 = arith.muli %add3A_81, %mul3A_90 : i32
      %dma_wait3A_92 = tpu.memref_slice %arg5[%mul3A_91] : memref<10000xi32, #tpu.memory_space<vmem>> -> memref<80xi32, #tpu.memory_space<vmem>>
      %dma_wait3A_93 = arith.constant 0 : i32
      %dma_wait3A_94 = arith.constant 0 : i32
      %dma_wait3A_95 = tpu.memref_slice %arg3[%dma_wait3A_93, %dma_wait3A_94] : memref<10240x128xf32, #tpu.memory_space<hbm>> -> memref<10240x128xf32, #tpu.memory_space<hbm>>
      tpu.wait_indirect_dma semaphore(%arg13 : memref<!tpu.dma_semaphore, #tpu.memory_space<semaphore_mem>>) src(%dma_wait3A_95 : memref<10240x128xf32, #tpu.memory_space<hbm>>) dst(%arg9 : memref<80x128xf32, #tpu.memory_space<vmem>>)
      "tpu.region"() ({
        %run_scoped3A_152 = tpu.sem_alloc : memref<!tpu.dma_semaphore, #tpu.memory_space<semaphore_mem>>
        %dma_start3A_153 = arith.constant 0 : i32
        %dma_start3A_154 = arith.constant 0 : i32
        %dma_start3A_155 = tpu.memref_slice %arg12[%dma_start3A_153, %dma_start3A_154] : memref<10240x128xf32, #tpu.memory_space<vmem_shared>> -> memref<10240x128xf32, #tpu.memory_space<vmem_shared>>
        tpu.enqueue_indirect_dma source(%arg9 : memref<80x128xf32, #tpu.memory_space<vmem>>) target(%dma_start3A_155 : memref<10240x128xf32, #tpu.memory_space<vmem_shared>>) offsets(%arg6 : memref<80xi32, #tpu.memory_space<vmem>>) semaphore(%run_scoped3A_152 : memref<!tpu.dma_semaphore, #tpu.memory_space<semaphore_mem>>) {add = true}
        %dma_wait3A_156 = arith.constant 0 : i32
        %dma_wait3A_157 = arith.constant 0 : i32
        %dma_wait3A_158 = tpu.memref_slice %arg12[%dma_wait3A_156, %dma_wait3A_157] : memref<10240x128xf32, #tpu.memory_space<vmem_shared>> -> memref<10240x128xf32, #tpu.memory_space<vmem_shared>>
        tpu.wait_indirect_dma semaphore(%run_scoped3A_152 : memref<!tpu.dma_semaphore, #tpu.memory_space<semaphore_mem>>) src(%arg9 : memref<80x128xf32, #tpu.memory_space<vmem>>) dst(%dma_wait3A_158 : memref<10240x128xf32, #tpu.memory_space<vmem_shared>>)
        tpu.yield
      }) : () -> ()
      %add3A_96 = arith.constant 3 : i32
      %add3A_97 = arith.addi %add3A_81, %add3A_96 : i32
      %lt3A = arith.constant 125 : i32
      %lt3A_98 = arith.cmpi slt, %add3A_97, %lt3A : i32
      %convert_element_type3A_99 = arith.extui %lt3A_98 : i1 to i32
      %cond3A_100 = arith.constant 0 : i32
      %cond3A_101 = arith.cmpi ne, %convert_element_type3A_99, %cond3A_100 : i32
      scf.if %cond3A_101 {
        %add3A_152 = arith.constant 3 : i32
        %add3A_153 = arith.addi %add3A_81, %add3A_152 : i32
        %mul3A_154 = arith.constant 80 : i32
        %mul3A_155 = arith.muli %add3A_153, %mul3A_154 : i32
        %add3A_156 = arith.addi %mul3A_2, %mul3A_155 : i32
        %dma_start3A_157 = arith.constant 1 : i32
        %dma_start3A_158 = tpu.memref_slice %arg2[%dma_start3A_157, %add3A_156] : memref<2x320000xi32, #tpu.memory_space<hbm>> -> memref<1x80xi32, #tpu.memory_space<hbm>>
        %dma_start3A_159 = tpu.memref_squeeze %dma_start3A_158 : memref<1x80xi32, #tpu.memory_space<hbm>> -> memref<80xi32, #tpu.memory_space<hbm>>
        %dma_start3A_160 = tpu.memref_slice %arg2[%dma_start3A_157, %add3A_156] : memref<2x320000xi32, #tpu.memory_space<hbm>> -> memref<1x80xi32, #tpu.memory_space<hbm>>
        %dma_start3A_161 = tpu.memref_squeeze %dma_start3A_160 : memref<1x80xi32, #tpu.memory_space<hbm>> -> memref<80xi32, #tpu.memory_space<hbm>>
        tpu.enqueue_dma source(%dma_start3A_161 : memref<80xi32, #tpu.memory_space<hbm>>) target(%arg6 : memref<80xi32, #tpu.memory_space<vmem>>) target_semaphore(%arg16 : memref<!tpu.dma_semaphore, #tpu.memory_space<semaphore_mem>>)
        %mul3A_162 = arith.constant 80 : i32
        %mul3A_163 = arith.muli %add3A_153, %mul3A_162 : i32
        %dma_start3A_164 = tpu.memref_slice %arg5[%mul3A_163] : memref<10000xi32, #tpu.memory_space<vmem>> -> memref<80xi32, #tpu.memory_space<vmem>>
        %dma_start3A_165 = arith.constant 0 : i32
        %dma_start3A_166 = arith.constant 0 : i32
        %dma_start3A_167 = tpu.memref_slice %arg3[%dma_start3A_165, %dma_start3A_166] : memref<10240x128xf32, #tpu.memory_space<hbm>> -> memref<10240x128xf32, #tpu.memory_space<hbm>>
        tpu.enqueue_indirect_dma source(%dma_start3A_167 : memref<10240x128xf32, #tpu.memory_space<hbm>>) target(%arg9 : memref<80x128xf32, #tpu.memory_space<vmem>>) offsets(%dma_start3A_164 : memref<80xi32, #tpu.memory_space<vmem>>) semaphore(%arg13 : memref<!tpu.dma_semaphore, #tpu.memory_space<semaphore_mem>>)
      } else {
      }
      %mul3A_102 = arith.constant 3 : i32
      %mul3A_103 = arith.muli %scan3A_77, %mul3A_102 : i32
      %add3A_104 = arith.constant 1 : i32
      %add3A_105 = arith.addi %mul3A_103, %add3A_104 : i32
      %mul3A_106 = arith.constant 80 : i32
      %mul3A_107 = arith.muli %add3A_105, %mul3A_106 : i32
      %add3A_108 = arith.addi %mul3A_2, %mul3A_107 : i32
      %dma_wait3A_109 = arith.constant 1 : i32
      %dma_wait3A_110 = tpu.memref_slice %arg2[%dma_wait3A_109, %add3A_108] : memref<2x320000xi32, #tpu.memory_space<hbm>> -> memref<1x80xi32, #tpu.memory_space<hbm>>
      %dma_wait3A_111 = tpu.memref_squeeze %dma_wait3A_110 : memref<1x80xi32, #tpu.memory_space<hbm>> -> memref<80xi32, #tpu.memory_space<hbm>>
      %dma_wait3A_112 = tpu.memref_slice %arg2[%dma_wait3A_109, %add3A_108] : memref<2x320000xi32, #tpu.memory_space<hbm>> -> memref<1x80xi32, #tpu.memory_space<hbm>>
      %dma_wait3A_113 = tpu.memref_squeeze %dma_wait3A_112 : memref<1x80xi32, #tpu.memory_space<hbm>> -> memref<80xi32, #tpu.memory_space<hbm>>
      tpu.wait_dma2 semaphore(%arg17 : memref<!tpu.dma_semaphore, #tpu.memory_space<semaphore_mem>>) src(%dma_wait3A_113 : memref<80xi32, #tpu.memory_space<hbm>>) dst(%arg7 : memref<80xi32, #tpu.memory_space<vmem>>)
      %mul3A_114 = arith.constant 80 : i32
      %mul3A_115 = arith.muli %add3A_105, %mul3A_114 : i32
      %dma_wait3A_116 = tpu.memref_slice %arg5[%mul3A_115] : memref<10000xi32, #tpu.memory_space<vmem>> -> memref<80xi32, #tpu.memory_space<vmem>>
      %dma_wait3A_117 = arith.constant 0 : i32
      %dma_wait3A_118 = arith.constant 0 : i32
      %dma_wait3A_119 = tpu.memref_slice %arg3[%dma_wait3A_117, %dma_wait3A_118] : memref<10240x128xf32, #tpu.memory_space<hbm>> -> memref<10240x128xf32, #tpu.memory_space<hbm>>
      tpu.wait_indirect_dma semaphore(%arg14 : memref<!tpu.dma_semaphore, #tpu.memory_space<semaphore_mem>>) src(%dma_wait3A_119 : memref<10240x128xf32, #tpu.memory_space<hbm>>) dst(%arg10 : memref<80x128xf32, #tpu.memory_space<vmem>>)
      "tpu.region"() ({
        %run_scoped3A_152 = tpu.sem_alloc : memref<!tpu.dma_semaphore, #tpu.memory_space<semaphore_mem>>
        %dma_start3A_153 = arith.constant 0 : i32
        %dma_start3A_154 = arith.constant 0 : i32
        %dma_start3A_155 = tpu.memref_slice %arg12[%dma_start3A_153, %dma_start3A_154] : memref<10240x128xf32, #tpu.memory_space<vmem_shared>> -> memref<10240x128xf32, #tpu.memory_space<vmem_shared>>
        tpu.enqueue_indirect_dma source(%arg10 : memref<80x128xf32, #tpu.memory_space<vmem>>) target(%dma_start3A_155 : memref<10240x128xf32, #tpu.memory_space<vmem_shared>>) offsets(%arg7 : memref<80xi32, #tpu.memory_space<vmem>>) semaphore(%run_scoped3A_152 : memref<!tpu.dma_semaphore, #tpu.memory_space<semaphore_mem>>) {add = true}
        %dma_wait3A_156 = arith.constant 0 : i32
        %dma_wait3A_157 = arith.constant 0 : i32
        %dma_wait3A_158 = tpu.memref_slice %arg12[%dma_wait3A_156, %dma_wait3A_157] : memref<10240x128xf32, #tpu.memory_space<vmem_shared>> -> memref<10240x128xf32, #tpu.memory_space<vmem_shared>>
        tpu.wait_indirect_dma semaphore(%run_scoped3A_152 : memref<!tpu.dma_semaphore, #tpu.memory_space<semaphore_mem>>) src(%arg10 : memref<80x128xf32, #tpu.memory_space<vmem>>) dst(%dma_wait3A_158 : memref<10240x128xf32, #tpu.memory_space<vmem_shared>>)
        tpu.yield
      }) : () -> ()
      %add3A_120 = arith.constant 3 : i32
      %add3A_121 = arith.addi %add3A_105, %add3A_120 : i32
      %lt3A_122 = arith.constant 125 : i32
      %lt3A_123 = arith.cmpi slt, %add3A_121, %lt3A_122 : i32
      %convert_element_type3A_124 = arith.extui %lt3A_123 : i1 to i32
      %cond3A_125 = arith.constant 0 : i32
      %cond3A_126 = arith.cmpi ne, %convert_element_type3A_124, %cond3A_125 : i32
      scf.if %cond3A_126 {
        %add3A_152 = arith.constant 3 : i32
        %add3A_153 = arith.addi %add3A_105, %add3A_152 : i32
        %mul3A_154 = arith.constant 80 : i32
        %mul3A_155 = arith.muli %add3A_153, %mul3A_154 : i32
        %add3A_156 = arith.addi %mul3A_2, %mul3A_155 : i32
        %dma_start3A_157 = arith.constant 1 : i32
        %dma_start3A_158 = tpu.memref_slice %arg2[%dma_start3A_157, %add3A_156] : memref<2x320000xi32, #tpu.memory_space<hbm>> -> memref<1x80xi32, #tpu.memory_space<hbm>>
        %dma_start3A_159 = tpu.memref_squeeze %dma_start3A_158 : memref<1x80xi32, #tpu.memory_space<hbm>> -> memref<80xi32, #tpu.memory_space<hbm>>
        %dma_start3A_160 = tpu.memref_slice %arg2[%dma_start3A_157, %add3A_156] : memref<2x320000xi32, #tpu.memory_space<hbm>> -> memref<1x80xi32, #tpu.memory_space<hbm>>
        %dma_start3A_161 = tpu.memref_squeeze %dma_start3A_160 : memref<1x80xi32, #tpu.memory_space<hbm>> -> memref<80xi32, #tpu.memory_space<hbm>>
        tpu.enqueue_dma source(%dma_start3A_161 : memref<80xi32, #tpu.memory_space<hbm>>) target(%arg7 : memref<80xi32, #tpu.memory_space<vmem>>) target_semaphore(%arg17 : memref<!tpu.dma_semaphore, #tpu.memory_space<semaphore_mem>>)
        %mul3A_162 = arith.constant 80 : i32
        %mul3A_163 = arith.muli %add3A_153, %mul3A_162 : i32
        %dma_start3A_164 = tpu.memref_slice %arg5[%mul3A_163] : memref<10000xi32, #tpu.memory_space<vmem>> -> memref<80xi32, #tpu.memory_space<vmem>>
        %dma_start3A_165 = arith.constant 0 : i32
        %dma_start3A_166 = arith.constant 0 : i32
        %dma_start3A_167 = tpu.memref_slice %arg3[%dma_start3A_165, %dma_start3A_166] : memref<10240x128xf32, #tpu.memory_space<hbm>> -> memref<10240x128xf32, #tpu.memory_space<hbm>>
        tpu.enqueue_indirect_dma source(%dma_start3A_167 : memref<10240x128xf32, #tpu.memory_space<hbm>>) target(%arg10 : memref<80x128xf32, #tpu.memory_space<vmem>>) offsets(%dma_start3A_164 : memref<80xi32, #tpu.memory_space<vmem>>) semaphore(%arg14 : memref<!tpu.dma_semaphore, #tpu.memory_space<semaphore_mem>>)
      } else {
      }
      %mul3A_127 = arith.constant 3 : i32
      %mul3A_128 = arith.muli %scan3A_77, %mul3A_127 : i32
      %add3A_129 = arith.constant 2 : i32
      %add3A_130 = arith.addi %mul3A_128, %add3A_129 : i32
      %mul3A_131 = arith.constant 80 : i32
      %mul3A_132 = arith.muli %add3A_130, %mul3A_131 : i32
      %add3A_133 = arith.addi %mul3A_2, %mul3A_132 : i32
      %dma_wait3A_134 = arith.constant 1 : i32
      %dma_wait3A_135 = tpu.memref_slice %arg2[%dma_wait3A_134, %add3A_133] : memref<2x320000xi32, #tpu.memory_space<hbm>> -> memref<1x80xi32, #tpu.memory_space<hbm>>
      %dma_wait3A_136 = tpu.memref_squeeze %dma_wait3A_135 : memref<1x80xi32, #tpu.memory_space<hbm>> -> memref<80xi32, #tpu.memory_space<hbm>>
      %dma_wait3A_137 = tpu.memref_slice %arg2[%dma_wait3A_134, %add3A_133] : memref<2x320000xi32, #tpu.memory_space<hbm>> -> memref<1x80xi32, #tpu.memory_space<hbm>>
      %dma_wait3A_138 = tpu.memref_squeeze %dma_wait3A_137 : memref<1x80xi32, #tpu.memory_space<hbm>> -> memref<80xi32, #tpu.memory_space<hbm>>
      tpu.wait_dma2 semaphore(%arg18 : memref<!tpu.dma_semaphore, #tpu.memory_space<semaphore_mem>>) src(%dma_wait3A_138 : memref<80xi32, #tpu.memory_space<hbm>>) dst(%arg8 : memref<80xi32, #tpu.memory_space<vmem>>)
      %mul3A_139 = arith.constant 80 : i32
      %mul3A_140 = arith.muli %add3A_130, %mul3A_139 : i32
      %dma_wait3A_141 = tpu.memref_slice %arg5[%mul3A_140] : memref<10000xi32, #tpu.memory_space<vmem>> -> memref<80xi32, #tpu.memory_space<vmem>>
      %dma_wait3A_142 = arith.constant 0 : i32
      %dma_wait3A_143 = arith.constant 0 : i32
      %dma_wait3A_144 = tpu.memref_slice %arg3[%dma_wait3A_142, %dma_wait3A_143] : memref<10240x128xf32, #tpu.memory_space<hbm>> -> memref<10240x128xf32, #tpu.memory_space<hbm>>
      tpu.wait_indirect_dma semaphore(%arg15 : memref<!tpu.dma_semaphore, #tpu.memory_space<semaphore_mem>>) src(%dma_wait3A_144 : memref<10240x128xf32, #tpu.memory_space<hbm>>) dst(%arg11 : memref<80x128xf32, #tpu.memory_space<vmem>>)
      "tpu.region"() ({
        %run_scoped3A_152 = tpu.sem_alloc : memref<!tpu.dma_semaphore, #tpu.memory_space<semaphore_mem>>
        %dma_start3A_153 = arith.constant 0 : i32
        %dma_start3A_154 = arith.constant 0 : i32
        %dma_start3A_155 = tpu.memref_slice %arg12[%dma_start3A_153, %dma_start3A_154] : memref<10240x128xf32, #tpu.memory_space<vmem_shared>> -> memref<10240x128xf32, #tpu.memory_space<vmem_shared>>
        tpu.enqueue_indirect_dma source(%arg11 : memref<80x128xf32, #tpu.memory_space<vmem>>) target(%dma_start3A_155 : memref<10240x128xf32, #tpu.memory_space<vmem_shared>>) offsets(%arg8 : memref<80xi32, #tpu.memory_space<vmem>>) semaphore(%run_scoped3A_152 : memref<!tpu.dma_semaphore, #tpu.memory_space<semaphore_mem>>) {add = true}
        %dma_wait3A_156 = arith.constant 0 : i32
        %dma_wait3A_157 = arith.constant 0 : i32
        %dma_wait3A_158 = tpu.memref_slice %arg12[%dma_wait3A_156, %dma_wait3A_157] : memref<10240x128xf32, #tpu.memory_space<vmem_shared>> -> memref<10240x128xf32, #tpu.memory_space<vmem_shared>>
        tpu.wait_indirect_dma semaphore(%run_scoped3A_152 : memref<!tpu.dma_semaphore, #tpu.memory_space<semaphore_mem>>) src(%arg11 : memref<80x128xf32, #tpu.memory_space<vmem>>) dst(%dma_wait3A_158 : memref<10240x128xf32, #tpu.memory_space<vmem_shared>>)
        tpu.yield
      }) : () -> ()
      %add3A_145 = arith.constant 3 : i32
      %add3A_146 = arith.addi %add3A_130, %add3A_145 : i32
      %lt3A_147 = arith.constant 125 : i32
      %lt3A_148 = arith.cmpi slt, %add3A_146, %lt3A_147 : i32
      %convert_element_type3A_149 = arith.extui %lt3A_148 : i1 to i32
      %cond3A_150 = arith.constant 0 : i32
      %cond3A_151 = arith.cmpi ne, %convert_element_type3A_149, %cond3A_150 : i32
      scf.if %cond3A_151 {
        %add3A_152 = arith.constant 3 : i32
        %add3A_153 = arith.addi %add3A_130, %add3A_152 : i32
        %mul3A_154 = arith.constant 80 : i32
        %mul3A_155 = arith.muli %add3A_153, %mul3A_154 : i32
        %add3A_156 = arith.addi %mul3A_2, %mul3A_155 : i32
        %dma_start3A_157 = arith.constant 1 : i32
        %dma_start3A_158 = tpu.memref_slice %arg2[%dma_start3A_157, %add3A_156] : memref<2x320000xi32, #tpu.memory_space<hbm>> -> memref<1x80xi32, #tpu.memory_space<hbm>>
        %dma_start3A_159 = tpu.memref_squeeze %dma_start3A_158 : memref<1x80xi32, #tpu.memory_space<hbm>> -> memref<80xi32, #tpu.memory_space<hbm>>
        %dma_start3A_160 = tpu.memref_slice %arg2[%dma_start3A_157, %add3A_156] : memref<2x320000xi32, #tpu.memory_space<hbm>> -> memref<1x80xi32, #tpu.memory_space<hbm>>
        %dma_start3A_161 = tpu.memref_squeeze %dma_start3A_160 : memref<1x80xi32, #tpu.memory_space<hbm>> -> memref<80xi32, #tpu.memory_space<hbm>>
        tpu.enqueue_dma source(%dma_start3A_161 : memref<80xi32, #tpu.memory_space<hbm>>) target(%arg8 : memref<80xi32, #tpu.memory_space<vmem>>) target_semaphore(%arg18 : memref<!tpu.dma_semaphore, #tpu.memory_space<semaphore_mem>>)
        %mul3A_162 = arith.constant 80 : i32
        %mul3A_163 = arith.muli %add3A_153, %mul3A_162 : i32
        %dma_start3A_164 = tpu.memref_slice %arg5[%mul3A_163] : memref<10000xi32, #tpu.memory_space<vmem>> -> memref<80xi32, #tpu.memory_space<vmem>>
        %dma_start3A_165 = arith.constant 0 : i32
        %dma_start3A_166 = arith.constant 0 : i32
        %dma_start3A_167 = tpu.memref_slice %arg3[%dma_start3A_165, %dma_start3A_166] : memref<10240x128xf32, #tpu.memory_space<hbm>> -> memref<10240x128xf32, #tpu.memory_space<hbm>>
        tpu.enqueue_indirect_dma source(%dma_start3A_167 : memref<10240x128xf32, #tpu.memory_space<hbm>>) target(%arg11 : memref<80x128xf32, #tpu.memory_space<vmem>>) offsets(%dma_start3A_164 : memref<80xi32, #tpu.memory_space<vmem>>) semaphore(%arg15 : memref<!tpu.dma_semaphore, #tpu.memory_space<semaphore_mem>>)
      } else {
      }
    }
    %scan3A_48 = arith.constant 41 : i32
    %add3A_49 = arith.constant 9840 : i32
    %add3A_50 = arith.addi %mul3A_2, %add3A_49 : i32
    %dma_wait3A = arith.constant 1 : i32
    %dma_wait3A_51 = tpu.memref_slice %arg2[%dma_wait3A, %add3A_50] : memref<2x320000xi32, #tpu.memory_space<hbm>> -> memref<1x80xi32, #tpu.memory_space<hbm>>
    %dma_wait3A_52 = tpu.memref_squeeze %dma_wait3A_51 : memref<1x80xi32, #tpu.memory_space<hbm>> -> memref<80xi32, #tpu.memory_space<hbm>>
    %dma_wait3A_53 = tpu.memref_slice %arg2[%dma_wait3A, %add3A_50] : memref<2x320000xi32, #tpu.memory_space<hbm>> -> memref<1x80xi32, #tpu.memory_space<hbm>>
    %dma_wait3A_54 = tpu.memref_squeeze %dma_wait3A_53 : memref<1x80xi32, #tpu.memory_space<hbm>> -> memref<80xi32, #tpu.memory_space<hbm>>
    tpu.wait_dma2 semaphore(%arg16 : memref<!tpu.dma_semaphore, #tpu.memory_space<semaphore_mem>>) src(%dma_wait3A_54 : memref<80xi32, #tpu.memory_space<hbm>>) dst(%arg6 : memref<80xi32, #tpu.memory_space<vmem>>)
    %dma_wait3A_55 = arith.constant 9840 : i32
    %dma_wait3A_56 = tpu.memref_slice %arg5[%dma_wait3A_55] : memref<10000xi32, #tpu.memory_space<vmem>> -> memref<80xi32, #tpu.memory_space<vmem>>
    %dma_wait3A_57 = arith.constant 0 : i32
    %dma_wait3A_58 = arith.constant 0 : i32
    %dma_wait3A_59 = tpu.memref_slice %arg3[%dma_wait3A_57, %dma_wait3A_58] : memref<10240x128xf32, #tpu.memory_space<hbm>> -> memref<10240x128xf32, #tpu.memory_space<hbm>>
    tpu.wait_indirect_dma semaphore(%arg13 : memref<!tpu.dma_semaphore, #tpu.memory_space<semaphore_mem>>) src(%dma_wait3A_59 : memref<10240x128xf32, #tpu.memory_space<hbm>>) dst(%arg9 : memref<80x128xf32, #tpu.memory_space<vmem>>)
    "tpu.region"() ({
      %run_scoped3A_77 = tpu.sem_alloc : memref<!tpu.dma_semaphore, #tpu.memory_space<semaphore_mem>>
      %dma_start3A_78 = arith.constant 0 : i32
      %dma_start3A_79 = arith.constant 0 : i32
      %dma_start3A_80 = tpu.memref_slice %arg12[%dma_start3A_78, %dma_start3A_79] : memref<10240x128xf32, #tpu.memory_space<vmem_shared>> -> memref<10240x128xf32, #tpu.memory_space<vmem_shared>>
      tpu.enqueue_indirect_dma source(%arg9 : memref<80x128xf32, #tpu.memory_space<vmem>>) target(%dma_start3A_80 : memref<10240x128xf32, #tpu.memory_space<vmem_shared>>) offsets(%arg6 : memref<80xi32, #tpu.memory_space<vmem>>) semaphore(%run_scoped3A_77 : memref<!tpu.dma_semaphore, #tpu.memory_space<semaphore_mem>>) {add = true}
      %dma_wait3A_81 = arith.constant 0 : i32
      %dma_wait3A_82 = arith.constant 0 : i32
      %dma_wait3A_83 = tpu.memref_slice %arg12[%dma_wait3A_81, %dma_wait3A_82] : memref<10240x128xf32, #tpu.memory_space<vmem_shared>> -> memref<10240x128xf32, #tpu.memory_space<vmem_shared>>
      tpu.wait_indirect_dma semaphore(%run_scoped3A_77 : memref<!tpu.dma_semaphore, #tpu.memory_space<semaphore_mem>>) src(%arg9 : memref<80x128xf32, #tpu.memory_space<vmem>>) dst(%dma_wait3A_83 : memref<10240x128xf32, #tpu.memory_space<vmem_shared>>)
      tpu.yield
    }) : () -> ()
    %add3A_60 = arith.constant 9920 : i32
    %add3A_61 = arith.addi %mul3A_2, %add3A_60 : i32
    %dma_wait3A_62 = arith.constant 1 : i32
    %dma_wait3A_63 = tpu.memref_slice %arg2[%dma_wait3A_62, %add3A_61] : memref<2x320000xi32, #tpu.memory_space<hbm>> -> memref<1x80xi32, #tpu.memory_space<hbm>>
    %dma_wait3A_64 = tpu.memref_squeeze %dma_wait3A_63 : memref<1x80xi32, #tpu.memory_space<hbm>> -> memref<80xi32, #tpu.memory_space<hbm>>
    %dma_wait3A_65 = tpu.memref_slice %arg2[%dma_wait3A_62, %add3A_61] : memref<2x320000xi32, #tpu.memory_space<hbm>> -> memref<1x80xi32, #tpu.memory_space<hbm>>
    %dma_wait3A_66 = tpu.memref_squeeze %dma_wait3A_65 : memref<1x80xi32, #tpu.memory_space<hbm>> -> memref<80xi32, #tpu.memory_space<hbm>>
    tpu.wait_dma2 semaphore(%arg17 : memref<!tpu.dma_semaphore, #tpu.memory_space<semaphore_mem>>) src(%dma_wait3A_66 : memref<80xi32, #tpu.memory_space<hbm>>) dst(%arg7 : memref<80xi32, #tpu.memory_space<vmem>>)
    %dma_wait3A_67 = arith.constant 9920 : i32
    %dma_wait3A_68 = tpu.memref_slice %arg5[%dma_wait3A_67] : memref<10000xi32, #tpu.memory_space<vmem>> -> memref<80xi32, #tpu.memory_space<vmem>>
    %dma_wait3A_69 = arith.constant 0 : i32
    %dma_wait3A_70 = arith.constant 0 : i32
    %dma_wait3A_71 = tpu.memref_slice %arg3[%dma_wait3A_69, %dma_wait3A_70] : memref<10240x128xf32, #tpu.memory_space<hbm>> -> memref<10240x128xf32, #tpu.memory_space<hbm>>
    tpu.wait_indirect_dma semaphore(%arg14 : memref<!tpu.dma_semaphore, #tpu.memory_space<semaphore_mem>>) src(%dma_wait3A_71 : memref<10240x128xf32, #tpu.memory_space<hbm>>) dst(%arg10 : memref<80x128xf32, #tpu.memory_space<vmem>>)
    "tpu.region"() ({
      %run_scoped3A_77 = tpu.sem_alloc : memref<!tpu.dma_semaphore, #tpu.memory_space<semaphore_mem>>
      %dma_start3A_78 = arith.constant 0 : i32
      %dma_start3A_79 = arith.constant 0 : i32
      %dma_start3A_80 = tpu.memref_slice %arg12[%dma_start3A_78, %dma_start3A_79] : memref<10240x128xf32, #tpu.memory_space<vmem_shared>> -> memref<10240x128xf32, #tpu.memory_space<vmem_shared>>
      tpu.enqueue_indirect_dma source(%arg10 : memref<80x128xf32, #tpu.memory_space<vmem>>) target(%dma_start3A_80 : memref<10240x128xf32, #tpu.memory_space<vmem_shared>>) offsets(%arg7 : memref<80xi32, #tpu.memory_space<vmem>>) semaphore(%run_scoped3A_77 : memref<!tpu.dma_semaphore, #tpu.memory_space<semaphore_mem>>) {add = true}
      %dma_wait3A_81 = arith.constant 0 : i32
      %dma_wait3A_82 = arith.constant 0 : i32
      %dma_wait3A_83 = tpu.memref_slice %arg12[%dma_wait3A_81, %dma_wait3A_82] : memref<10240x128xf32, #tpu.memory_space<vmem_shared>> -> memref<10240x128xf32, #tpu.memory_space<vmem_shared>>
      tpu.wait_indirect_dma semaphore(%run_scoped3A_77 : memref<!tpu.dma_semaphore, #tpu.memory_space<semaphore_mem>>) src(%arg10 : memref<80x128xf32, #tpu.memory_space<vmem>>) dst(%dma_wait3A_83 : memref<10240x128xf32, #tpu.memory_space<vmem_shared>>)
      tpu.yield
    }) : () -> ()
    %barrier3A_72 = arith.constant 0 : index
    tpu.barrier barrier_id(%barrier3A_72)
    %mul3A_73 = arith.constant 640 : i32
    %mul3A_74 = arith.muli %arg1, %mul3A_73 : i32
    %mul3A_75 = arith.constant 640 : i32
    %mul3A_76 = arith.muli %arg1, %mul3A_75 : i32
    "tpu.region"() ({
      %run_scoped3A_77 = tpu.sem_alloc : memref<!tpu.dma_semaphore, #tpu.memory_space<semaphore_mem>>
      %dma_start3A_78 = arith.constant 0 : i32
      %dma_start3A_79 = tpu.memref_slice %arg4[%arg0, %mul3A_76, %dma_start3A_78] : memref<2x10240x128xf32, #tpu.memory_space<hbm>> -> memref<1x640x128xf32, #tpu.memory_space<hbm>>
      %dma_start3A_80 = tpu.memref_squeeze %dma_start3A_79 : memref<1x640x128xf32, #tpu.memory_space<hbm>> -> memref<640x128xf32, #tpu.memory_space<hbm>>
      %dma_start3A_81 = arith.constant 0 : i32
      %dma_start3A_82 = tpu.memref_slice %arg12[%mul3A_74, %dma_start3A_81] : memref<10240x128xf32, #tpu.memory_space<vmem_shared>> -> memref<640x128xf32, #tpu.memory_space<vmem_shared>>
      tpu.enqueue_dma source(%dma_start3A_82 : memref<640x128xf32, #tpu.memory_space<vmem_shared>>) target(%dma_start3A_80 : memref<640x128xf32, #tpu.memory_space<hbm>>) target_semaphore(%run_scoped3A_77 : memref<!tpu.dma_semaphore, #tpu.memory_space<semaphore_mem>>)
      %dma_wait3A_83 = arith.constant 0 : i32
      %dma_wait3A_84 = tpu.memref_slice %arg4[%arg0, %mul3A_76, %dma_wait3A_83] : memref<2x10240x128xf32, #tpu.memory_space<hbm>> -> memref<1x640x128xf32, #tpu.memory_space<hbm>>
      %dma_wait3A_85 = tpu.memref_squeeze %dma_wait3A_84 : memref<1x640x128xf32, #tpu.memory_space<hbm>> -> memref<640x128xf32, #tpu.memory_space<hbm>>
      %dma_wait3A_86 = arith.constant 0 : i32
      %dma_wait3A_87 = tpu.memref_slice %arg12[%mul3A_74, %dma_wait3A_86] : memref<10240x128xf32, #tpu.memory_space<vmem_shared>> -> memref<640x128xf32, #tpu.memory_space<vmem_shared>>
      tpu.wait_dma2 semaphore(%run_scoped3A_77 : memref<!tpu.dma_semaphore, #tpu.memory_space<semaphore_mem>>) src(%dma_wait3A_87 : memref<640x128xf32, #tpu.memory_space<vmem_shared>>) dst(%dma_wait3A_85 : memref<640x128xf32, #tpu.memory_space<hbm>>)
      tpu.yield
    }) : () -> ()
    return
  }
}

module attributes {stable_mosaic.version = 14 : i64} {
  func.func @_mlp1_body(%arg0: i32, %arg1: memref<2x2048x16xf32, #tpu.memory_space<vmem>>, %arg2: memref<16x128xf32, #tpu.memory_space<vmem>>, %arg3: memref<1x128xf32, #tpu.memory_space<vmem>>, %arg4: memref<128x128xf32, #tpu.memory_space<vmem>>, %arg5: memref<1x128xf32, #tpu.memory_space<vmem>>, %arg6: memref<2048x128xf32, #tpu.memory_space<vmem>>) attributes {dimension_semantics = [#tpu.dimension_semantics<arbitrary>], iteration_bounds = array<i64: 5>, scalar_prefetch = 0 : i64, scratch_operands = 0 : i64, tpu.core_type = #tpu.core_type<tc>, window_params = [{transform_indices = @transform_0, window_bounds = array<i64: 2, 2048, 16>}, {pipeline_mode = #tpu.pipeline_mode<synchronous>, transform_indices = @transform_1, window_bounds = array<i64: 16, 128>}, {pipeline_mode = #tpu.pipeline_mode<synchronous>, transform_indices = @transform_2, window_bounds = array<i64: 1, 128>}, {pipeline_mode = #tpu.pipeline_mode<synchronous>, transform_indices = @transform_3, window_bounds = array<i64: 128, 128>}, {pipeline_mode = #tpu.pipeline_mode<synchronous>, transform_indices = @transform_4, window_bounds = array<i64: 1, 128>}, {transform_indices = @transform_5, window_bounds = array<i64: 2048, 128>}]} {
    %get3A = arith.constant 0 : index
    %get3A_0 = arith.constant 0 : index
    %get3A_1 = arith.constant 0 : index
    %get3A_2 = vector.load %arg1[%get3A, %get3A_0, %get3A_1] : memref<2x2048x16xf32, #tpu.memory_space<vmem>>, vector<1x2048x16xf32>
    %get3A_3 = vector.shape_cast %get3A_2 : vector<1x2048x16xf32> to vector<2048x16xf32>
    %get3A_4 = arith.constant 1 : index
    %get3A_5 = arith.constant 0 : index
    %get3A_6 = arith.constant 0 : index
    %get3A_7 = vector.load %arg1[%get3A_4, %get3A_5, %get3A_6] : memref<2x2048x16xf32, #tpu.memory_space<vmem>>, vector<1x2048x16xf32>
    %get3A_8 = vector.shape_cast %get3A_7 : vector<1x2048x16xf32> to vector<2048x16xf32>
    %add3A = arith.addf %get3A_3, %get3A_8 : vector<2048x16xf32>
    %get3A_9 = arith.constant 0 : index
    %get3A_10 = arith.constant 0 : index
    %get3A_11 = vector.load %arg2[%get3A_9, %get3A_10] : memref<16x128xf32, #tpu.memory_space<vmem>>, vector<16x128xf32>
    %dot_general3A = arith.constant dense<0.000000e+00> : vector<2048x128xf32>
    %dot_general3A_12 = tpu.matmul %add3A, %get3A_11, %dot_general3A {dimension_numbers = #tpu.dot_dimension_numbers<[1], [0], [0], [1], [0, 0, 1, 1], [], []>, transpose_lhs_hint = false} : vector<2048x16xf32>, vector<16x128xf32>, vector<2048x128xf32> -> vector<2048x128xf32>
    %get3A_13 = arith.constant 0 : index
    %get3A_14 = arith.constant 0 : index
    %get3A_15 = vector.load %arg3[%get3A_13, %get3A_14] : memref<1x128xf32, #tpu.memory_space<vmem>>, vector<1x128xf32>
    %add3A_16 = vector.broadcast %get3A_15 : vector<1x128xf32> to vector<2048x128xf32>
    %add3A_17 = arith.addf %dot_general3A_12, %add3A_16 : vector<2048x128xf32>
    %max3A = arith.constant 0.000000e+00 : f32
    %max3A_18 = vector.broadcast %max3A : f32 to vector<2048x128xf32>
    %max3A_19 = arith.maximumf %add3A_17, %max3A_18 : vector<2048x128xf32>
    %get3A_20 = arith.constant 0 : index
    %get3A_21 = arith.constant 0 : index
    %get3A_22 = vector.load %arg4[%get3A_20, %get3A_21] : memref<128x128xf32, #tpu.memory_space<vmem>>, vector<128x128xf32>
    %dot_general3A_23 = arith.constant dense<0.000000e+00> : vector<2048x128xf32>
    %dot_general3A_24 = tpu.matmul %max3A_19, %get3A_22, %dot_general3A_23 {dimension_numbers = #tpu.dot_dimension_numbers<[1], [0], [0], [1], [0, 0, 1, 1], [], []>, transpose_lhs_hint = false} : vector<2048x128xf32>, vector<128x128xf32>, vector<2048x128xf32> -> vector<2048x128xf32>
    %get3A_25 = arith.constant 0 : index
    %get3A_26 = arith.constant 0 : index
    %get3A_27 = vector.load %arg5[%get3A_25, %get3A_26] : memref<1x128xf32, #tpu.memory_space<vmem>>, vector<1x128xf32>
    %add3A_28 = vector.broadcast %get3A_27 : vector<1x128xf32> to vector<2048x128xf32>
    %add3A_29 = arith.addf %dot_general3A_24, %add3A_28 : vector<2048x128xf32>
    %max3A_30 = arith.constant 0.000000e+00 : f32
    %max3A_31 = vector.broadcast %max3A_30 : f32 to vector<2048x128xf32>
    %max3A_32 = arith.maximumf %add3A_29, %max3A_31 : vector<2048x128xf32>
    %swap3A = arith.constant 0 : index
    %swap3A_33 = arith.constant 0 : index
    %swap3A_34 = vector.load %arg6[%swap3A, %swap3A_33] : memref<2048x128xf32, #tpu.memory_space<vmem>>, vector<2048x128xf32>
    tpu.vector_store %arg6[%swap3A, %swap3A_33], %max3A_32 {strides = array<i32>} : memref<2048x128xf32, #tpu.memory_space<vmem>>, vector<2048x128xf32>,
    return
  }
  func.func @transform_0(%arg0: i32) -> (i32, i32, i32) {
    %c0_i32 = arith.constant 0 : i32
    %c0_i32_0 = arith.constant 0 : i32
    %c0_i32_1 = arith.constant 0 : i32
    return %c0_i32, %arg0, %c0_i32_0 : i32, i32, i32
  }
  func.func @transform_1(%arg0: i32) -> (i32, i32) {
    %c0_i32 = arith.constant 0 : i32
    %c0_i32_0 = arith.constant 0 : i32
    %c0_i32_1 = arith.constant 0 : i32
    return %c0_i32, %c0_i32_0 : i32, i32
  }
  func.func @transform_2(%arg0: i32) -> (i32, i32) {
    %c0_i32 = arith.constant 0 : i32
    %c0_i32_0 = arith.constant 0 : i32
    %c0_i32_1 = arith.constant 0 : i32
    return %c0_i32, %c0_i32_0 : i32, i32
  }
  func.func @transform_3(%arg0: i32) -> (i32, i32) {
    %c0_i32 = arith.constant 0 : i32
    %c0_i32_0 = arith.constant 0 : i32
    %c0_i32_1 = arith.constant 0 : i32
    return %c0_i32, %c0_i32_0 : i32, i32
  }
  func.func @transform_4(%arg0: i32) -> (i32, i32) {
    %c0_i32 = arith.constant 0 : i32
    %c0_i32_0 = arith.constant 0 : i32
    %c0_i32_1 = arith.constant 0 : i32
    return %c0_i32, %c0_i32_0 : i32, i32
  }
  func.func @transform_5(%arg0: i32) -> (i32, i32) {
    %c0_i32 = arith.constant 0 : i32
    %c0_i32_0 = arith.constant 0 : i32
    return %arg0, %c0_i32 : i32, i32
  }
}

module attributes {stable_mosaic.version = 14 : i64} {
  func.func @_mlp2_pool_body(%arg0: i32, %arg1: memref<2x2048x128xf32, #tpu.memory_space<vmem>>, %arg2: memref<1x1x2048xi32, #tpu.memory_space<vmem>>, %arg3: memref<128x128xf32, #tpu.memory_space<vmem>>, %arg4: memref<1x128xf32, #tpu.memory_space<vmem>>, %arg5: memref<128x128xf32, #tpu.memory_space<vmem>>, %arg6: memref<1x128xf32, #tpu.memory_space<vmem>>, %arg7: memref<128x128xf32, #tpu.memory_space<vmem>>, %arg8: memref<1x128xf32, #tpu.memory_space<vmem>>, %arg9: memref<256x128xf32, #tpu.memory_space<vmem>>, %arg10: memref<256x128xf32, #tpu.memory_space<vmem>>, %arg11: memref<256x128xf32, #tpu.memory_space<vmem>>) attributes {dimension_semantics = [#tpu.dimension_semantics<arbitrary>], iteration_bounds = array<i64: 5>, scalar_prefetch = 0 : i64, scratch_operands = 2 : i64, tpu.core_type = #tpu.core_type<tc>, window_params = [{transform_indices = @transform_0, window_bounds = array<i64: 2, 2048, 128>}, {transform_indices = @transform_1, window_bounds = array<i64: 1, 1, 2048>}, {pipeline_mode = #tpu.pipeline_mode<synchronous>, transform_indices = @transform_2, window_bounds = array<i64: 128, 128>}, {pipeline_mode = #tpu.pipeline_mode<synchronous>, transform_indices = @transform_3, window_bounds = array<i64: 1, 128>}, {pipeline_mode = #tpu.pipeline_mode<synchronous>, transform_indices = @transform_4, window_bounds = array<i64: 128, 128>}, {pipeline_mode = #tpu.pipeline_mode<synchronous>, transform_indices = @transform_5, window_bounds = array<i64: 1, 128>}, {pipeline_mode = #tpu.pipeline_mode<synchronous>, transform_indices = @transform_6, window_bounds = array<i64: 128, 128>}, {pipeline_mode = #tpu.pipeline_mode<synchronous>, transform_indices = @transform_7, window_bounds = array<i64: 1, 128>}, {pipeline_mode = #tpu.pipeline_mode<synchronous>, transform_indices = @transform_8, window_bounds = array<i64: 256, 128>}]} {
    %eq3A = arith.constant 0 : i32
    %eq3A_0 = arith.cmpi eq, %arg0, %eq3A : i32
    %convert_element_type3A = arith.extui %eq3A_0 : i1 to i32
    %cond3A = arith.constant 0 : i32
    %cond3A_1 = arith.cmpi ne, %convert_element_type3A, %cond3A : i32
    scf.if %cond3A_1 {
      %broadcast_in_dim3A_68 = arith.constant 0.000000e+00 : f32
      %broadcast_in_dim3A_69 = vector.broadcast %broadcast_in_dim3A_68 : f32 to vector<256x128xf32>
      %swap3A_70 = arith.constant 0 : index
      %swap3A_71 = arith.constant 0 : index
      %swap3A_72 = vector.load %arg10[%swap3A_70, %swap3A_71] : memref<256x128xf32, #tpu.memory_space<vmem>>, vector<256x128xf32>
      tpu.vector_store %arg10[%swap3A_70, %swap3A_71], %broadcast_in_dim3A_69 {strides = array<i32>} : memref<256x128xf32, #tpu.memory_space<vmem>>, vector<256x128xf32>,
      %broadcast_in_dim3A_73 = arith.constant 0.000000e+00 : f32
      %broadcast_in_dim3A_74 = vector.broadcast %broadcast_in_dim3A_73 : f32 to vector<256x128xf32>
      %swap3A_75 = arith.constant 0 : index
      %swap3A_76 = arith.constant 0 : index
      %swap3A_77 = vector.load %arg11[%swap3A_75, %swap3A_76] : memref<256x128xf32, #tpu.memory_space<vmem>>, vector<256x128xf32>
      tpu.vector_store %arg11[%swap3A_75, %swap3A_76], %broadcast_in_dim3A_74 {strides = array<i32>} : memref<256x128xf32, #tpu.memory_space<vmem>>, vector<256x128xf32>,
    } else {
    }
    %get3A = arith.constant 0 : index
    %get3A_2 = arith.constant 0 : index
    %get3A_3 = arith.constant 0 : index
    %get3A_4 = vector.load %arg1[%get3A, %get3A_2, %get3A_3] : memref<2x2048x128xf32, #tpu.memory_space<vmem>>, vector<1x2048x128xf32>
    %get3A_5 = vector.shape_cast %get3A_4 : vector<1x2048x128xf32> to vector<2048x128xf32>
    %get3A_6 = arith.constant 1 : index
    %get3A_7 = arith.constant 0 : index
    %get3A_8 = arith.constant 0 : index
    %get3A_9 = vector.load %arg1[%get3A_6, %get3A_7, %get3A_8] : memref<2x2048x128xf32, #tpu.memory_space<vmem>>, vector<1x2048x128xf32>
    %get3A_10 = vector.shape_cast %get3A_9 : vector<1x2048x128xf32> to vector<2048x128xf32>
    %add3A = arith.addf %get3A_5, %get3A_10 : vector<2048x128xf32>
    %get3A_11 = arith.constant 0 : index
    %get3A_12 = arith.constant 0 : index
    %get3A_13 = vector.load %arg3[%get3A_11, %get3A_12] : memref<128x128xf32, #tpu.memory_space<vmem>>, vector<128x128xf32>
    %dot_general3A = arith.constant dense<0.000000e+00> : vector<2048x128xf32>
    %dot_general3A_14 = tpu.matmul %add3A, %get3A_13, %dot_general3A {dimension_numbers = #tpu.dot_dimension_numbers<[1], [0], [0], [1], [0, 0, 1, 1], [], []>, transpose_lhs_hint = false} : vector<2048x128xf32>, vector<128x128xf32>, vector<2048x128xf32> -> vector<2048x128xf32>
    %get3A_15 = arith.constant 0 : index
    %get3A_16 = arith.constant 0 : index
    %get3A_17 = vector.load %arg4[%get3A_15, %get3A_16] : memref<1x128xf32, #tpu.memory_space<vmem>>, vector<1x128xf32>
    %add3A_18 = vector.broadcast %get3A_17 : vector<1x128xf32> to vector<2048x128xf32>
    %add3A_19 = arith.addf %dot_general3A_14, %add3A_18 : vector<2048x128xf32>
    %max3A = arith.constant 0.000000e+00 : f32
    %max3A_20 = vector.broadcast %max3A : f32 to vector<2048x128xf32>
    %max3A_21 = arith.maximumf %add3A_19, %max3A_20 : vector<2048x128xf32>
    %get3A_22 = arith.constant 0 : index
    %get3A_23 = arith.constant 0 : index
    %get3A_24 = vector.load %arg5[%get3A_22, %get3A_23] : memref<128x128xf32, #tpu.memory_space<vmem>>, vector<128x128xf32>
    %dot_general3A_25 = arith.constant dense<0.000000e+00> : vector<2048x128xf32>
    %dot_general3A_26 = tpu.matmul %max3A_21, %get3A_24, %dot_general3A_25 {dimension_numbers = #tpu.dot_dimension_numbers<[1], [0], [0], [1], [0, 0, 1, 1], [], []>, transpose_lhs_hint = false} : vector<2048x128xf32>, vector<128x128xf32>, vector<2048x128xf32> -> vector<2048x128xf32>
    %get3A_27 = arith.constant 0 : index
    %get3A_28 = arith.constant 0 : index
    %get3A_29 = vector.load %arg6[%get3A_27, %get3A_28] : memref<1x128xf32, #tpu.memory_space<vmem>>, vector<1x128xf32>
    %add3A_30 = vector.broadcast %get3A_29 : vector<1x128xf32> to vector<2048x128xf32>
    %add3A_31 = arith.addf %dot_general3A_26, %add3A_30 : vector<2048x128xf32>
    %max3A_32 = arith.constant 0.000000e+00 : f32
    %max3A_33 = vector.broadcast %max3A_32 : f32 to vector<2048x128xf32>
    %max3A_34 = arith.maximumf %add3A_31, %max3A_33 : vector<2048x128xf32>
    %get3A_35 = arith.constant 0 : index
    %get3A_36 = arith.constant 0 : index
    %get3A_37 = arith.constant 0 : index
    %get3A_38 = vector.load %arg2[%get3A_35, %get3A_36, %get3A_37] : memref<1x1x2048xi32, #tpu.memory_space<vmem>>, vector<1x1x2048xi32>
    %get3A_39 = vector.shape_cast %get3A_38 : vector<1x1x2048xi32> to vector<2048xi32>
    %broadcast_in_dim3A = vector.shape_cast %get3A_39 : vector<2048xi32> to vector<2048x1xi32>
    %iota3A = tpu.iota {dimensions = array<i32: 1>} : vector<2048x256xi32>
    %eq3A_40 = vector.broadcast %broadcast_in_dim3A : vector<2048x1xi32> to vector<2048x256xi32>
    %eq3A_41 = arith.cmpi eq, %eq3A_40, %iota3A : vector<2048x256xi32>
    %convert_element_type3A_42 = arith.extui %eq3A_41 : vector<2048x256xi1> to vector<2048x256xi32>
    %convert_element_type3A_43 = arith.sitofp %convert_element_type3A_42 : vector<2048x256xi32> to vector<2048x256xf32>
    %get3A_44 = arith.constant 0 : index
    %get3A_45 = arith.constant 0 : index
    %get3A_46 = vector.load %arg10[%get3A_44, %get3A_45] : memref<256x128xf32, #tpu.memory_space<vmem>>, vector<256x128xf32>
    %dot_general3A_47 = arith.constant dense<0.000000e+00> : vector<256x128xf32>
    %dot_general3A_48 = tpu.matmul %convert_element_type3A_43, %max3A_34, %dot_general3A_47 {dimension_numbers = #tpu.dot_dimension_numbers<[0], [0], [1], [1], [0, 1, 1, 1], [], []>, transpose_lhs_hint = false} : vector<2048x256xf32>, vector<2048x128xf32>, vector<256x128xf32> -> vector<256x128xf32>
    %add3A_49 = arith.addf %get3A_46, %dot_general3A_48 : vector<256x128xf32>
    %swap3A = arith.constant 0 : index
    %swap3A_50 = arith.constant 0 : index
    %swap3A_51 = vector.load %arg10[%swap3A, %swap3A_50] : memref<256x128xf32, #tpu.memory_space<vmem>>, vector<256x128xf32>
    tpu.vector_store %arg10[%swap3A, %swap3A_50], %add3A_49 {strides = array<i32>} : memref<256x128xf32, #tpu.memory_space<vmem>>, vector<256x128xf32>,
    %get3A_52 = arith.constant 0 : index
    %get3A_53 = arith.constant 0 : index
    %get3A_54 = vector.load %arg11[%get3A_52, %get3A_53] : memref<256x128xf32, #tpu.memory_space<vmem>>, vector<256x128xf32>
    %broadcast_in_dim3A_55 = arith.constant 1.000000e+00 : f32
    %broadcast_in_dim3A_56 = vector.broadcast %broadcast_in_dim3A_55 : f32 to vector<2048x128xf32>
    %dot_general3A_57 = arith.constant dense<0.000000e+00> : vector<256x128xf32>
    %dot_general3A_58 = tpu.matmul %convert_element_type3A_43, %broadcast_in_dim3A_56, %dot_general3A_57 {dimension_numbers = #tpu.dot_dimension_numbers<[0], [0], [1], [1], [0, 1, 1, 1], [], []>, transpose_lhs_hint = false} : vector<2048x256xf32>, vector<2048x128xf32>, vector<256x128xf32> -> vector<256x128xf32>
    %add3A_59 = arith.addf %get3A_54, %dot_general3A_58 : vector<256x128xf32>
    %swap3A_60 = arith.constant 0 : index
    %swap3A_61 = arith.constant 0 : index
    %swap3A_62 = vector.load %arg11[%swap3A_60, %swap3A_61] : memref<256x128xf32, #tpu.memory_space<vmem>>, vector<256x128xf32>
    tpu.vector_store %arg11[%swap3A_60, %swap3A_61], %add3A_59 {strides = array<i32>} : memref<256x128xf32, #tpu.memory_space<vmem>>, vector<256x128xf32>,
    %eq3A_63 = arith.constant 4 : i32
    %eq3A_64 = arith.cmpi eq, %arg0, %eq3A_63 : i32
    %convert_element_type3A_65 = arith.extui %eq3A_64 : i1 to i32
    %cond3A_66 = arith.constant 0 : i32
    %cond3A_67 = arith.cmpi ne, %convert_element_type3A_65, %cond3A_66 : i32
    scf.if %cond3A_67 {
      %get3A_68 = arith.constant 0 : index
      %get3A_69 = arith.constant 0 : index
      %get3A_70 = vector.load %arg10[%get3A_68, %get3A_69] : memref<256x128xf32, #tpu.memory_space<vmem>>, vector<256x128xf32>
      %get3A_71 = arith.constant 0 : index
      %get3A_72 = arith.constant 0 : index
      %get3A_73 = vector.load %arg11[%get3A_71, %get3A_72] : memref<256x128xf32, #tpu.memory_space<vmem>>, vector<256x128xf32>
      %max3A_74 = arith.constant 1.000000e+00 : f32
      %max3A_75 = vector.broadcast %max3A_74 : f32 to vector<256x128xf32>
      %max3A_76 = arith.maximumf %get3A_73, %max3A_75 : vector<256x128xf32>
      %div3A = arith.divf %get3A_70, %max3A_76 : vector<256x128xf32>
      %get3A_77 = arith.constant 0 : index
      %get3A_78 = arith.constant 0 : index
      %get3A_79 = vector.load %arg7[%get3A_77, %get3A_78] : memref<128x128xf32, #tpu.memory_space<vmem>>, vector<128x128xf32>
      %dot_general3A_80 = arith.constant dense<0.000000e+00> : vector<256x128xf32>
      %dot_general3A_81 = tpu.matmul %div3A, %get3A_79, %dot_general3A_80 {dimension_numbers = #tpu.dot_dimension_numbers<[1], [0], [0], [1], [0, 0, 1, 1], [], []>, transpose_lhs_hint = false} : vector<256x128xf32>, vector<128x128xf32>, vector<256x128xf32> -> vector<256x128xf32>
      %get3A_82 = arith.constant 0 : index
      %get3A_83 = arith.constant 0 : index
      %get3A_84 = vector.load %arg8[%get3A_82, %get3A_83] : memref<1x128xf32, #tpu.memory_space<vmem>>, vector<1x128xf32>
      %add3A_85 = vector.broadcast %get3A_84 : vector<1x128xf32> to vector<256x128xf32>
      %add3A_86 = arith.addf %dot_general3A_81, %add3A_85 : vector<256x128xf32>
      %swap3A_87 = arith.constant 0 : index
      %swap3A_88 = arith.constant 0 : index
      %swap3A_89 = vector.load %arg9[%swap3A_87, %swap3A_88] : memref<256x128xf32, #tpu.memory_space<vmem>>, vector<256x128xf32>
      tpu.vector_store %arg9[%swap3A_87, %swap3A_88], %add3A_86 {strides = array<i32>} : memref<256x128xf32, #tpu.memory_space<vmem>>, vector<256x128xf32>,
    } else {
    }
    return
  }
  func.func @transform_0(%arg0: i32) -> (i32, i32, i32) {
    %c0_i32 = arith.constant 0 : i32
    %c0_i32_0 = arith.constant 0 : i32
    %c0_i32_1 = arith.constant 0 : i32
    return %c0_i32, %arg0, %c0_i32_0 : i32, i32, i32
  }
  func.func @transform_1(%arg0: i32) -> (i32, i32, i32) {
    %c0_i32 = arith.constant 0 : i32
    %c0_i32_0 = arith.constant 0 : i32
    %c0_i32_1 = arith.constant 0 : i32
    return %arg0, %c0_i32, %c0_i32_0 : i32, i32, i32
  }
  func.func @transform_2(%arg0: i32) -> (i32, i32) {
    %c0_i32 = arith.constant 0 : i32
    %c0_i32_0 = arith.constant 0 : i32
    %c0_i32_1 = arith.constant 0 : i32
    return %c0_i32, %c0_i32_0 : i32, i32
  }
  func.func @transform_3(%arg0: i32) -> (i32, i32) {
    %c0_i32 = arith.constant 0 : i32
    %c0_i32_0 = arith.constant 0 : i32
    %c0_i32_1 = arith.constant 0 : i32
    return %c0_i32, %c0_i32_0 : i32, i32
  }
  func.func @transform_4(%arg0: i32) -> (i32, i32) {
    %c0_i32 = arith.constant 0 : i32
    %c0_i32_0 = arith.constant 0 : i32
    %c0_i32_1 = arith.constant 0 : i32
    return %c0_i32, %c0_i32_0 : i32, i32
  }
  func.func @transform_5(%arg0: i32) -> (i32, i32) {
    %c0_i32 = arith.constant 0 : i32
    %c0_i32_0 = arith.constant 0 : i32
    %c0_i32_1 = arith.constant 0 : i32
    return %c0_i32, %c0_i32_0 : i32, i32
  }
  func.func @transform_6(%arg0: i32) -> (i32, i32) {
    %c0_i32 = arith.constant 0 : i32
    %c0_i32_0 = arith.constant 0 : i32
    %c0_i32_1 = arith.constant 0 : i32
    return %c0_i32, %c0_i32_0 : i32, i32
  }
  func.func @transform_7(%arg0: i32) -> (i32, i32) {
    %c0_i32 = arith.constant 0 : i32
    %c0_i32_0 = arith.constant 0 : i32
    %c0_i32_1 = arith.constant 0 : i32
    return %c0_i32, %c0_i32_0 : i32, i32
  }
  func.func @transform_8(%arg0: i32) -> (i32, i32) {
    %c0_i32 = arith.constant 0 : i32
    %c0_i32_0 = arith.constant 0 : i32
    %c0_i32_1 = arith.constant 0 : i32
    return %c0_i32, %c0_i32_0 : i32, i32
  }
}

</mosaic_0001>

<sc_bundles>
// kernel: kernel.6.cloned.1.call-start
scs
__scs_entry_jumppad:
0x0: {  	(pc) =	sbr.rel $0x88, $3  }
0x1: {  	(tag) =	ssettag $0x0;
	lr =	simm.s32 $0x1  }
0x2: {  	[smem:$0x3F94] =	sst lr;
	_ =	strace $0xD0000000  }
0x3: {  	_ = 	snop  }
0x4: {  	_ = 	snop  }
0x5: {  	_ = 	snop  }
0x6: {  	_ = 	snop  }
0x7: {  	_ = 	snop  }
__scs_overlays_trampoline_lowered:
0x8: {  	[smem:$0x3FA3] =	sst s0  }
0x9: {  	[smem:$0x3FA4] =	sst s1  }
0xa: {  	[smem:$0x3FA5] =	sst s2  }
0xb: {  	[smem:$0x3FA6] =	sst s3  }
0xc: {  	[smem:$0x3FA7] =	sst s4  }
0xd: {  	[smem:$0x3FA8] =	sst s5  }
0xe: {  	[smem:$0x3FA9] =	sst s6  }
0xf: {  	[smem:$0x3FAA] =	sst s7  }
0x10: {  	[smem:$0x3FAB] =	sst s8  }
0x11: {  	[smem:$0x3FAC] =	sst s9;
	s0 =	simm.s32 @!p0 $0x0  }
0x12: {  	s1 =	sld [smem:$0x3F92];
	s0 =	simm.s32 @p0 $0x1  }
0x13: {  	[smem:$0x3FAD] =	sst s0;
	s0 =	simm.s32 @!p1 $0x0  }
0x14: {  	s2 =	sld [smem:$0x3F91];
	s0 =	simm.s32 @p1 $0x1  }
0x15: {  	[smem:$0x3FAE] =	sst s0;
	s0 =	simm.s32 @!p2 $0x0  }
0x16: {  	s3 =	sld [smem:$0x3FDB];
	s0 =	simm.s32 @p2 $0x1  }
0x17: {  	s4 =	simm.s32 $0x1BF5;
	[smem:$0x3FB0] =	sst s0  }
0x18: {  	s0 =	sld [smem:$0x3F93];
	_ =	swait.ge [sflag:s4], $0x0  }
0x19: {  	s7 =	sld [smem:$0x3F94]  }
0x1a: {  	s8 =	sadd.s32 $0xFFFFE003, lr  }
0x1b: {  	s9 =	sadd.s32 $0xFFFFFEF7, lr;
	s5 =	simm.s32 $0xFFFFFFFF;
	p2 =	slt.u32 s8, $0xFFFFF086  }
0x1c: {  	p1 =	slt.u32 s9, $0xF7A;
	s5 =	simm.s32 @!p2 $0x0  }
0x1d: {  	s5 =	simm.s32 @p1 $0x1;
	p0 =	seq.s32 s7, s2  }
0x1e: {  	s7 =	smul.u32 @!p0 $0xF7A, s2;
	p2 =	seq.s32 @!p0 s5, $0x0  }
0x1f: {  	s9 =	smul.u32 $0xF7A, s1;
	s8 =	simm.s32 @!p0 $0x1BF5;
	p2 =	por !p2, p0  }
0x20: {  	[sflag:s8] =	ssyncset.s32 @!p0 $0xFFFFF086;
	s6 =	sadd.s32 @!p0 s3, s7;
	s7 =	simm.s32 @!p0 $0x108  }
0x21: {  	s3 =	sadd.s32 s3, s9;
	s6 =	sadd.s32 @!p0 $0x88, s6;
	s7 =	simm.s32 @p2 $0x1082  }
0x22: {  	[simem:s7], [sflag:s8] =	dma.local @!p0 [hbm:s6], $0xF7A  }
0x23: {  	s9 =	sor.u32 $0xD0000000, s2;
	s6 =	simm.s32 $0x108;
	_ =	swait.ge @!p0 [sflag:s8], $0x0  }
0x24: {  	s3 =	sadd.s32 $0x88, s3;
	s6 =	simm.s32 @!p1 $0x1082;
	[sflag:s4] =	ssyncset.s32 $0xFFFFF086  }
0x25: {  	[simem:s6], [sflag:s4] =	dma.local [hbm:s3], $0xF7A  }
0x26: {  	[smem:$0x3F94] =	sst s1;
	(tag) =	ssettag s2;
	_ =	strace s9  }
0x27: {  	s1 =	sld [smem:$0x3FA4]  }
0x28: {  	s2 =	sld [smem:$0x3FA5]  }
0x29: {  	s4 =	sld [smem:$0x3FA7]  }
0x2a: {  	p0 =	seq.s32 s5, $0x0;
	s5 =	sld [smem:$0x3FA8]  }
0x2b: {  	s6 =	sld [smem:$0x3FA9]  }
0x2c: {  	s7 =	sld [smem:$0x3FAA]  }
0x2d: {  	s3 =	simm.s32 $0x108;
	s8 =	sld [smem:$0x3FAB]  }
0x2e: {  	s3 =	simm.s32 @!p0 $0x1082;
	s9 =	sld [smem:$0x3FAC]  }
0x2f: {  	lr =	sadd.s32 s0, s3;
	s0 =	sld [smem:$0x3FA3]  }
0x30: {  	s3 =	sld [smem:$0x3FA6]  }
0x31: {  	[smem:$0x3FAF] =	sst s10  }
0x32: {  	s10 =	sld [smem:$0x3FAD];
	_ =	sdelay $0x3  }
0x33: {  	p0 =	seq.s32 s10, $0x1;
	s10 =	sld [smem:$0x3FAF];
	_ =	sdelay $0x3  }
0x34: {  	[smem:$0x3FAF] =	sst s10  }
0x35: {  	s10 =	sld [smem:$0x3FAE];
	_ =	sdelay $0x3  }
0x36: {  	p1 =	seq.s32 s10, $0x1;
	s10 =	sld [smem:$0x3FAF];
	_ =	sdelay $0x3  }
0x37: {  	[smem:$0x3FAF] =	sst s10  }
0x38: {  	s10 =	sld [smem:$0x3FB0]  }
0x39: {  	_ = 	snop;
	(pc) =	sbr.ind lr, $3  }
0x3a: {  	_ = 	snop  }
0x3b: {  	_ = 	snop  }
0x3c: {  	p2 =	seq.s32 s10, $0x1;
	s10 =	sld [smem:$0x3FAF]  }
0x3d: {  	_ =	shalt  }
0x3e: {  	_ =	shalt  }
0x3f: {  	_ =	shalt  }
0x40: {  	_ =	shalt  }
0x41: {  	_ =	shalt  }
0x42: {  	_ =	shalt  }
0x43: {  	_ =	shalt  }
0x44: {  	_ =	shalt  }
0x45: {  	_ =	shalt  }
0x46: {  	_ =	shalt  }
0x47: {  	_ =	shalt  }
0x48: {  	_ =	shalt  }
0x49: {  	_ =	shalt  }
0x4a: {  	_ =	shalt  }
0x4b: {  	_ =	shalt  }
0x4c: {  	_ =	shalt  }
0x4d: {  	_ =	shalt  }
0x4e: {  	_ =	shalt  }
0x4f: {  	_ =	shalt  }
0x50: {  	_ =	shalt  }
0x51: {  	_ =	shalt  }
0x52: {  	_ =	shalt  }
0x53: {  	_ =	shalt  }
0x54: {  	_ =	shalt  }
0x55: {  	_ =	shalt  }
0x56: {  	_ =	shalt  }
0x57: {  	_ =	shalt  }
0x58: {  	_ =	shalt  }
0x59: {  	_ =	shalt  }
0x5a: {  	_ =	shalt  }
0x5b: {  	_ =	shalt  }
0x5c: {  	_ =	shalt  }
0x5d: {  	_ =	shalt  }
0x5e: {  	_ =	shalt  }
0x5f: {  	_ =	shalt  }
0x60: {  	_ =	shalt  }
0x61: {  	_ =	shalt  }
0x62: {  	_ =	shalt  }
0x63: {  	_ =	shalt  }
0x64: {  	_ =	shalt  }
0x65: {  	_ =	shalt  }
0x66: {  	_ =	shalt  }
0x67: {  	_ =	shalt  }
0x68: {  	_ =	shalt  }
0x69: {  	_ =	shalt  }
0x6a: {  	_ =	shalt  }
0x6b: {  	_ =	shalt  }
0x6c: {  	_ =	shalt  }
0x6d: {  	_ =	shalt  }
0x6e: {  	_ =	shalt  }
0x6f: {  	_ =	shalt  }
0x70: {  	_ =	shalt  }
0x71: {  	_ =	shalt  }
0x72: {  	_ =	shalt  }
0x73: {  	_ =	shalt  }
0x74: {  	_ =	shalt  }
0x75: {  	_ =	shalt  }
0x76: {  	_ =	shalt  }
0x77: {  	_ =	shalt  }
0x78: {  	_ =	shalt  }
0x79: {  	_ =	shalt  }
0x7a: {  	_ =	shalt  }
0x7b: {  	_ =	shalt  }
0x7c: {  	_ =	shalt  }
0x7d: {  	_ =	shalt  }
0x7e: {  	_ =	shalt  }
0x7f: {  	_ =	shalt  }
0x80: {  	_ =	shalt  }
0x81: {  	_ =	shalt  }
0x82: {  	_ =	shalt  }
0x83: {  	_ =	shalt  }
0x84: {  	_ =	shalt  }
0x85: {  	_ =	shalt  }
0x86: {  	_ =	shalt  }
0x87: {  	_ =	shalt  }
.Lfunc_end0:
.L_simem_size_0:
called_computation_lowered:
.L_overlay_start_0:
0x88: {  	s2 =	sld [smem:$0x3FD9]  }
0x89: {  	s3 =	sld [smem:$0x3FFE];
	_ =	sdelay $0x1  }
0x8a: {  	s1 =	srdreg.scid  }
0x8b: {  	s0 =	sand.u32 $0x1, s1  }
0x8c: {  	s16 =	sshll.u32 s0, $0xA;
	s2 =	sadd.s32 s3, s2  }
0x8d: {  	s2 =	sadd.s32 s2, s16  }
0x8e: {  	[smem:$0x3FBB] =	sst s2  }
0x8f: {  	_ = 	snop  }
0x90: {  	(tm) =	ssettm $0x1  }
0x91: {  	s17 =	sld [smem:$0x3FFB];
	_ =	sdelay $0x3  }
0x92: {  	_ =	strace s17  }
0x93: {  	s2 =	sld [smem:$0x3FFC];
	_ =	sdelay $0x3  }
0x94: {  	_ =	strace s2  }
0x95: {  	s2 =	sld [smem:$0x3FFD];
	_ =	sdelay $0x3  }
0x96: {  	_ =	strace s2  }
0x97: {  	_ =	strace $0x8FFFFFFF  }
0x98: {  	s18 =	sld [smem:$0x3FDB];
	_ =	sdelay $0x1  }
0x99: {  	s19 =	simm.s32 $_scs_section_size  }
0x9a: {  	s4 =	simm.s32 $_size__tile_overlayer_lowered;
	s5 =	simm.s32 $_tile_overlayer_lowered  }
0x9b: {  	s22 =	simm.s32 $0x1BFF;
	s21 =	sshll.u32 s5, $0x1;
	s2 =	sadd.s32 s19, s18  }
0x9c: {  	s6 =	simm.s32 $0x0;
	s20 =	sshll.u32 s4, $0x1;
	s4 =	sadd.s32 s21, s2  }
0x9d: {  	[timem:s6], [sflag:s22] =	dma.local [hbm:s4], s20  }
0x9e: {  	_ =	swait.ge [sflag:s22], s20  }
0x9f: {  	s3 =	ssub.s32 $0x0, s20;
	[sflag:s22] =	ssyncset.done $0x0  }
0xa0: {  	[sflag:s22] =	ssyncadd.s32 s3;
	_ =	sdelay $0x1  }
0xa1: {  	s23 =	simm.s32 $0x1B8B  }
0xa2: {  	_ =	swait.ge [sflag:s23], $0x1  }
0xa3: {  	[sflag:s23] =	ssyncset.done $0x0  }
0xa4: {  	s25 =	simm.s32 $0x1B8E;
	s24 =	sld [smem:$0x3FFE];
	[sflag:s23] =	ssyncadd.s32 $0xFFFFFFFF  }
0xa5: {  	s26 =	simm.s32 $execute0_lowered;
	[smem:$0x3FD2] =	sst s25  }
0xa6: {  	s4 =	sshll.u32 s26, $0x1;
	_ =	strace $0x80000046;
	[dreg:$0x1] =	wrdreg $0xFFFFFFFF  }
0xa7: {  	s28 =	simm.s32 $_size_execute0_lowered;
	s2 =	sadd.s32 s2, s4;
	[dreg:$0x0] =	wrdreg $0x0  }
0xa8: {  	s4 =	sshll.u32 s28, $0x1;
	[dreg:$0x2] =	wrdreg s2  }
0xa9: {  	[dreg:$0x3] =	wrdreg s4  }
0xaa: {  	[dreg:$0x4] =	wrdreg $0xC0  }
0xab: {  	_ =	task [dreg:s6], $0x5FFFF  }
0xac: {  	[dreg:$0x1] =	wrdreg $0xFFFFFFFF  }
0xad: {  	[dreg:$0x0] =	wrdreg $0x60  }
0xae: {  	[dreg:$0x2] =	wrdreg s24  }
0xaf: {  	[dreg:$0x3] =	wrdreg $0x41A00  }
0xb0: {  	[dreg:$0x4] =	wrdreg $0x9  }
0xb1: {  	_ =	task.clear_ibuf [dreg:s6], $0x5FFFF;
	_ =	strace $0x90000046  }
0xb2: {  	s29 =	simm.s32 $0x9;
	_ =	strace $0x80000048  }
0xb3: {  	_ =	swait.ge [sflag:s29], $0x1  }
0xb4: {  	[sflag:s29] =	ssyncadd.s32 $0xFFFFFFFF  }
0xb5: {  	_ =	strace $0x90000048  }
0xb6: {  	_ =	sfence  }
0xb7: {  	s30 =	sld [smem:$0x0];
	_ =	sdelay $0x2  }
0xb8: {  	s31 =	sshll.u32 s1, $0xD;
	s1 =	sshrl.u32 s1, $0x2  }
0xb9: {  	s3 =	sand.u32 $0x4000, s31;
	s1 =	sadd.s32 s1, s30  }
0xba: {  	s0 =	sor.u32 s3, s0;
	s1 =	sshll.u32 s1, $0x11  }
0xbb: {  	s0 =	sor.u32 s1, s0  }
0xbc: {  	s0 =	sadd.s32 $0x8F2B, s0  }
0xbd: {  	[sflag:s0] =	ssyncadd.remote.s32 $0x1  }
0xbe: {  	_ =	sfence.sel $0xFFFF  }
0xbf: {  	[dreg:$0x0] =	wrdreg $0xFFFFFFFF;
	(pc) =	sbr.abs _section_cstart, $3  }
0xc0: {  	[dreg:$0x1] =	wrdreg $0xFFFFFFFF  }
0xc1: {  	_ =	task.clear_ibuf [dreg:s6], $0x2FFFF;
	_ =	strace $0x9FFFFFFF  }
0xc2: {  	(tm) =	ssettm $0x7FFFFFFF  }
0xc3: {  	_ =	shalt  }
tec
execute0_lowered:
.L_overlay_start_1:
0x0: {  	(tag) =	ssettag $0x1  }
0x1: {  	s0 =	rddreg [dreg:$0x0]  }
0x2: {  	s1 =	srdreg.scid;
	s3 =	stileid.u32  }
0x3: {  	s2 =	rddreg [dreg:$0x1];
	s6 =	simm.s32 $0x0;
	s29 =	simm.s32 $0xB  }
0x4: {  	s30 =	simm.s32 $0x2710;
	s31 =	simm.s32 $0x50;
	s5 =	smul.u32 $0x2800, s3  }
0x5: {  	s1 =	sand.u32 $0x1, s1;
	[smem:$0x7FF] =	sst s6;
	s8 =	smul.u32 $0xA000, s3  }
0x6: {  	s6 =	sadd.s32 $0x2400, s0;
	s9 =	sshll.u32 s3, $0x1;
	s20 =	smul.u32 $0x4E20, s3  }
0x7: {  	s4 =	smul.u32 $0x28000, s1;
	_ =	strace $0x80000047;
	s18 =	ssub.s32 $0x2, s1  }
0x8: {  	s9 =	sor.u32 s1, s9;
	s23 =	smul.u32 $0x2710, s1;
	p0 =	sne.s32 s1, $0x0  }
0x9: {  	s1 =	simm.s32 $0x28A0;
	s8 =	sshrl.u32 s8, $0x2;
	s28 =	sadd.s32 s5, s2  }
0xa: {  	s10 =	sshrl.u32 s18, $0x1;
	s11 =	sadd.s32 s8, s2;
	[dreg:$0xb] =	wrdreg s28  }
0xb: {  	s9 =	smul.u32 $0x2710, s9;
	s8 =	sadd.s32 $0x500, s11;
	[dreg:$0x3] =	wrdreg s11  }
0xc: {  	s7 =	sadd.s32 s5, s4;
	s19 =	sadd.s32 $0xA00, s11;
	[dreg:$0x4] =	wrdreg s8  }
0xd: {  	s4 =	sadd.s32 $0x15E00, s0;
	s21 =	sadd.s32 $0xF00, s11;
	[dreg:$0x5] =	wrdreg s19  }
0xe: {  	s5 =	sshrl.u32 s5, $0x3;
	s22 =	sadd.s32 $0x1400, s11;
	[dreg:$0x6] =	wrdreg s21  }
0xf: {  	s7 =	sshrl.u32 s7, $0x3;
	s24 =	sadd.s32 $0x1900, s11;
	[dreg:$0x7] =	wrdreg s22  }
0x10: {  	s25 =	sadd.s32 $0x1E00, s11;
	s26 =	sadd.s32 $0x2300, s11;
	[dreg:$0x8] =	wrdreg s24  }
0x11: {  	s11 =	sadd.s32 s4, s5;
	s12 =	sshrl.u32 s9, $0x3;
	[dreg:$0x9] =	wrdreg s25  }
0x12: {  	s0 =	sadd.s32 s7, s0;
	s7 =	ssub.s32 s18, s10;
	[dreg:$0xa] =	wrdreg s26  }
0x13: {  	s8 =	sadd.s32 s23, s20;
	[dreg:$0xc] =	wrdreg s11;
	s14 =	sadd.s32 s6, s12  }
0x14: {  	s10 =	simm.s32 $0x32A0;
	s11 =	simm.s32 $0x8;
	s12 =	simm.s32 $0x3  }
0x15: {  	s13 =	sadd.s32 $0x4E4D0, s8;
	s16 =	sadd.s32 $0x4E480, s8;
	s18 =	sadd.s32 $0x9C40, s14  }
0x16: {  	s20 =	sadd.s32 $0x4E430, s8;
	s21 =	sadd.s32 $0x4E3E0, s8;
	s8 =	sadd.s32 $0x4E390, s8  }
0x17: {  	s23 =	sadd.s32 $0x9C4A, s14;
	s24 =	sadd.s32 $0x9C54, s14;
	[dreg:$0xd] =	wrdreg s14  }
0x18: {  	s0 =	sadd.s32 $0x1AE00, s0;
	s25 =	smax.u32 s7, $0x1;
	[dreg:$0xe] =	wrdreg s18  }
0x19: {  	s26 =	sadd.s32 $0x9C5E, s14;
	s28 =	sadd.s32 $0x9C68, s14;
	[dreg:$0xf] =	wrdreg s23  }
0x1a: {  	s14 =	simm.s32 $0x2850;
	s7 =	simm.s32 $0x3CA0;
	[dreg:$0x10] =	wrdreg s24  }
0x1b: {  	s15 =	sshrl.u32 s13, $0x3;
	s19 =	sshrl.u32 s16, $0x3;
	[dreg:$0x11] =	wrdreg s0  }
0x1c: {  	s5 =	sshrl.u32 s20, $0x3;
	s9 =	sshrl.u32 s21, $0x3;
	[dreg:$0x12] =	wrdreg s25  }
.Ltmp0:
0x1d: {  	s22 =	sshrl.u32 s8, $0x3;
	[dreg:$0x13] =	wrdreg s26;
	(pc) =	sbr.rel .LBB2_1-.Ltmp0, $4  }
0x1e: {  	[dreg:$0x14] =	wrdreg s28;
	s8 =	simm.s32 $0x27B0;
	s0 =	simm.s32 $0x1  }
0x1f: {  	s13 =	simm.s32 $0x0;
	s17 =	sadd.s32 s15, s6;
	s18 =	sadd.s32 s19, s6  }
0x20: {  	s19 =	sadd.s32 s5, s6;
	s20 =	sadd.s32 s9, s6;
	s21 =	sadd.s32 s22, s6  }
0x21: {  	v0 =	vimm.f32 $0.0e+00;
	s9 =	simm.s32 $0x6;
	s6 =	simm.s32 $0xA;
	s5 =	simm.s32 $0x5  }
.LBB2_9:
0x22: {  	[bflag:$0x0] =	sbarrier.arrive $0xFFFF  }
0x23: {  	s3 =	rddreg [dreg:$0x11]  }
0x24: {  	s13 =	rddreg [dreg:$0x16]  }
0x25: {  	s15 =	rddreg [dreg:$0x17]  }
0x26: {  	[hbm:s3], [sflag:s15] =	dma.local [spmem:s13], $0x500  }
0x27: {  	_ =	swait.ge [sflag:s29], $0x500  }
0x28: {  	s26 =	rddreg [dreg:$0x15]  }
0x29: {  	s28 =	rddreg [dreg:$0x12];
	s13 =	sadd.s32 $0x1, s26  }
0x2a: {  	p1 =	sne.s32 s13, s28  }
.Ltmp1:
0x2b: {  	_ = 	snop;
	(pc) =	sbr.rel @!p1 .LBB2_10-.Ltmp1, $3  }
0x2c: {  	_ =	sdelay $0x1  }
0x2d: {  	[sflag:s29] =	ssyncset.done $0x0  }
0x2e: {  	[sflag:s29] =	ssyncadd.s32 $0xFFFFFB00  }
.LBB2_1:
.Ltmp2:
0x2f: {  	(pc) =	sbr.rel @p0 .LBB2_3-.Ltmp2, $4  }
0x30: {  	s3 =	stileid.u32;
	s28 =	rddreg [dreg:$0xb]  }
0x31: {  	[dreg:$0x15] =	wrdreg s13;
	s22 =	sshll.u32 s3, $0x6;
	s15 =	sshrl.u32 s28, $0x3  }
0x32: {  	s16 =	sor.u32 $0x1C0B, s22;
	[dreg:$0x16] =	wrdreg s15  }
0x33: {  	[dreg:$0x17] =	wrdreg s16  }
.Ltmp3:
0x34: {  	(pc) =	sbr.rel .LBB2_6-.Ltmp3, $3  }
0x35: {  	_ =	sdelay $0x1  }
0x36: {  	s3 =	rddreg [dreg:$0xc]  }
0x37: {  	[spmem:s15], [sflag:s16] =	dma.local [hbm:s3], $0x500  }
.LBB2_3:
0x38: {  	s23 =	simm.s32 $0x40;
	s24 =	simm.s32 $0x0  }
.LBB2_4:
0x39: {  	p1 =	sne.s32 s23, $0x13C0;
	[tilespmem:s24+$0x28A0] =	vst v0;
	s24 =	smov.u32 s23;
	s23 =	sadd.s32 $0x40, s23  }
.Ltmp4:
0x3a: {  	(pc) =	sbr.rel @p1 .LBB2_4-.Ltmp4, $2  }
0x3b: {  	_ =	sdelay $0x2  }
0x3c: {  	s24 =	sshra.s32 s24, $0x2  }
0x3d: {  	[tilespmem:s24+$0x28A0] =	vst v0;
	s3 =	rddreg [dreg:$0x3]  }
0x3e: {  	[spmem:s3] =	stream.linear.scatter [tilespmem:s1], [sflag:$0xB], $0x500, $0x38;
	[tilespmem:$0x69A0] =	vst v63  }
0x3f: {  	_ =	swait.ge [sflag:s29], $0x500  }
0x40: {  	[sflag:s29] =	ssyncset.done $0x0  }
0x41: {  	s16 =	rddreg [dreg:$0x4];
	[sflag:s29] =	ssyncadd.s32 $0xFFFFFB00  }
0x42: {  	[spmem:s16] =	stream.linear.scatter [tilespmem:s1], [sflag:$0xB], $0x500, $0x38;
	[tilespmem:$0x69A0] =	vst v63  }
0x43: {  	_ =	swait.ge [sflag:s29], $0x500  }
0x44: {  	[sflag:s29] =	ssyncset.done $0x0  }
0x45: {  	s22 =	rddreg [dreg:$0x5];
	[sflag:s29] =	ssyncadd.s32 $0xFFFFFB00  }
0x46: {  	[spmem:s22] =	stream.linear.scatter [tilespmem:s1], [sflag:$0xB], $0x500, $0x38;
	[tilespmem:$0x69A0] =	vst v63  }
0x47: {  	_ =	swait.ge [sflag:s29], $0x500  }
0x48: {  	[sflag:s29] =	ssyncset.done $0x0  }
0x49: {  	s23 =	rddreg [dreg:$0x6];
	[sflag:s29] =	ssyncadd.s32 $0xFFFFFB00  }
0x4a: {  	[spmem:s23] =	stream.linear.scatter [tilespmem:s1], [sflag:$0xB], $0x500, $0x38;
	[tilespmem:$0x69A0] =	vst v63  }
0x4b: {  	_ =	swait.ge [sflag:s29], $0x500  }
0x4c: {  	[sflag:s29] =	ssyncset.done $0x0  }
0x4d: {  	s24 =	rddreg [dreg:$0x7];
	[sflag:s29] =	ssyncadd.s32 $0xFFFFFB00  }
0x4e: {  	[spmem:s24] =	stream.linear.scatter [tilespmem:s1], [sflag:$0xB], $0x500, $0x38;
	[tilespmem:$0x69A0] =	vst v63  }
0x4f: {  	_ =	swait.ge [sflag:s29], $0x500  }
0x50: {  	[sflag:s29] =	ssyncset.done $0x0  }
0x51: {  	s25 =	rddreg [dreg:$0x8];
	[sflag:s29] =	ssyncadd.s32 $0xFFFFFB00  }
0x52: {  	[spmem:s25] =	stream.linear.scatter [tilespmem:s1], [sflag:$0xB], $0x500, $0x38;
	[tilespmem:$0x69A0] =	vst v63  }
0x53: {  	_ =	swait.ge [sflag:s29], $0x500  }
0x54: {  	[sflag:s29] =	ssyncset.done $0x0  }
0x55: {  	s26 =	rddreg [dreg:$0x9];
	[sflag:s29] =	ssyncadd.s32 $0xFFFFFB00  }
0x56: {  	[spmem:s26] =	stream.linear.scatter [tilespmem:s1], [sflag:$0xB], $0x500, $0x38;
	[tilespmem:$0x69A0] =	vst v63  }
0x57: {  	_ =	swait.ge [sflag:s29], $0x500  }
0x58: {  	[sflag:s29] =	ssyncset.done $0x0  }
0x59: {  	s28 =	rddreg [dreg:$0xa];
	[sflag:s29] =	ssyncadd.s32 $0xFFFFFB00  }
0x5a: {  	[spmem:s28] =	stream.linear.scatter [tilespmem:s1], [sflag:$0xB], $0x500, $0x38;
	[tilespmem:$0x69A0] =	vst v63  }
.LBB2_6:
0x5b: {  	_ =	swait.ge [sflag:s29], $0x500  }
0x5c: {  	[sflag:s29] =	ssyncset.done $0x0  }
0x5d: {  	s23 =	simm.s32 $0x0;
	s3 =	rddreg [dreg:$0xd];
	[sflag:s29] =	ssyncadd.s32 $0xFFFFFB00  }
0x5e: {  	[tilespmem:s23], [sflag:$0xB] =	stream.linear.gather [hbm4b:s3+s23], $0x2710, $0x38;
	[tilespmem:$0x69A0] =	vst v63  }
0x5f: {  	_ =	swait.ge [sflag:s29], $0x2710  }
0x60: {  	[sflag:s29] =	ssyncset.done $0x0  }
0x61: {  	[sflag:s29] =	ssyncadd.s32 $0xFFFFD8F0  }
0x62: {  	[bflag:$0x0] =	sbarrier.arrive $0xFFFF  }
0x63: {  	s25 =	rddreg [dreg:$0xe]  }
0x64: {  	[tilespmem:s30], [sflag:$0x6] =	stream.linear.gather [hbm4b:s25+s23], $0x50, $0x38;
	[tilespmem:$0x69A0] =	vst v63  }
0x65: {  	_ = 	snop  }
0x66: {  	[tilespmem:s1], [sflag:$0x1] =	stream.indirect.gather [hbm4b:s4+s31], $0x10, s23, s31, $0xb8;
	[tilespmem:$0x69A0] =	vst v63  }
0x67: {  	s13 =	simm.s32 $0x2760;
	s26 =	rddreg [dreg:$0xf]  }
0x68: {  	[tilespmem:s13], [sflag:$0x7] =	stream.linear.gather [hbm4b:s26+s23], $0x50, $0x38;
	[tilespmem:$0x69A0] =	vst v63  }
0x69: {  	s28 =	simm.s32 $0x2DA0  }
0x6a: {  	[tilespmem:s28], [sflag:$0x2] =	stream.indirect.gather [hbm4b:s4+s31], $0x10, s31, s31, $0xb8;
	[tilespmem:$0x69A0] =	vst v63  }
0x6b: {  	s13 =	rddreg [dreg:$0x10]  }
0x6c: {  	[tilespmem:s8], [sflag:$0x8] =	stream.linear.gather [hbm4b:s13+s23], $0x50, $0x38;
	[tilespmem:$0x69A0] =	vst v63  }
0x6d: {  	s15 =	simm.s32 $0xA0  }
0x6e: {  	[tilespmem:s10], [sflag:$0x3] =	stream.indirect.gather [hbm4b:s4+s31], $0x10, s15, s31, $0xb8;
	[tilespmem:$0x69A0] =	vst v63  }
0x6f: {  	s22 =	simm.s32 $0x2800;
	s16 =	rddreg [dreg:$0x13]  }
0x70: {  	[tilespmem:s22], [sflag:$0x9] =	stream.linear.gather [hbm4b:s16+s23], $0x50, $0x38;
	[tilespmem:$0x69A0] =	vst v63  }
0x71: {  	s24 =	simm.s32 $0xF0;
	s25 =	simm.s32 $0x37A0  }
0x72: {  	[tilespmem:s25], [sflag:$0x4] =	stream.indirect.gather [hbm4b:s4+s31], $0x10, s24, s31, $0xb8;
	[tilespmem:$0x69A0] =	vst v63  }
0x73: {  	s26 =	rddreg [dreg:$0x14]  }
0x74: {  	[tilespmem:s14], [sflag:$0xA] =	stream.linear.gather [hbm4b:s26+s23], $0x50, $0x38;
	[tilespmem:$0x69A0] =	vst v63  }
0x75: {  	s28 =	simm.s32 $0x140;
	s24 =	simm.s32 $0x2D0  }
0x76: {  	[tilespmem:s7], [sflag:$0x5] =	stream.indirect.gather [hbm4b:s4+s31], $0x10, s28, s31, $0xb8;
	[tilespmem:$0x69A0] =	vst v63  }
.LBB2_7:
0x77: {  	_ =	swait.ge [sflag:s9], $0x50  }
0x78: {  	[sflag:s9] =	ssyncset.done $0x0  }
0x79: {  	[sflag:s9] =	ssyncadd.s32 $0xFFFFFFB0  }
0x7a: {  	_ =	swait.ge [sflag:s0], $0x500  }
0x7b: {  	[sflag:s0] =	ssyncset.done $0x0  }
0x7c: {  	[sflag:s0] =	ssyncadd.s32 $0xFFFFFB00  }
0x7d: {  	[spmem:s2] =	stream.indirect.scatter.add.f32 [tilespmem:s1], [sflag:$0xB], $0x10, s30, s31, $0xb8;
	[tilespmem:$0x69A0] =	vst v63  }
0x7e: {  	_ =	swait.ge [sflag:s29], $0x500  }
0x7f: {  	p1 =	seq.s32 s23, $0x4B0;
	[sflag:s29] =	ssyncset.done $0x0  }
0x80: {  	s25 =	simm.s32 @p1 $0x7;
	[sflag:s29] =	ssyncadd.s32 $0xFFFFFB00  }
0x81: {  	_ =	swait.ge @p1 [sflag:s25], $0x50  }
0x82: {  	[sflag:s25] =	ssyncset.done @p1 $0x0  }
0x83: {  	[sflag:s25] =	ssyncadd.s32 @p1 $0xFFFFFFB0;
	s25 =	simm.s32 @p1 $0x2  }
0x84: {  	_ =	swait.ge @p1 [sflag:s25], $0x500  }
0x85: {  	s28 =	simm.s32 @p1 $0x50;
	s26 =	simm.s32 @p1 $0x2DA0;
	[sflag:s25] =	ssyncset.done @p1 $0x0  }
0x86: {  	s15 =	simm.s32 @p1 $0xB;
	[sflag:s25] =	ssyncadd.s32 @p1 $0xFFFFFB00;
	s25 =	simm.s32 @p1 $0x2760  }
0x87: {  	[spmem:s2] =	stream.indirect.scatter.add.f32 @p1 [tilespmem:s26], [sflag:$0xB], $0x10, s25, s28, $0xb8;
	[tilespmem:$0x69A0] =	vst v63  }
0x88: {  	_ =	swait.ge @p1 [sflag:s15], $0x500  }
0x89: {  	s16 =	simm.s32 @!p1 $0x2710;
	[sflag:s15] =	ssyncset.done @p1 $0x0  }
0x8a: {  	s26 =	sadd.s32 @!p1 s23, s21;
	s25 =	simm.s32 @!p1 $0x0;
	[sflag:s15] =	ssyncadd.s32 @p1 $0xFFFFFB00  }
0x8b: {  	[tilespmem:s16], [sflag:$0x6] =	stream.linear.gather @!p1 [hbm4b:s26+s25], $0x50, $0x38;
	[tilespmem:$0x69A0] =	vst v63  }
0x8c: {  	s22 =	simm.s32 @!p1 $0x28A0;
	s16 =	sadd.s32 @!p1 $0xFFFFFEC0, s24;
	s26 =	simm.s32 @!p1 $0x50  }
0x8d: {  	[tilespmem:s22], [sflag:$0x1] =	stream.indirect.gather @!p1 [hbm4b:s4+s26], $0x10, s16, s26, $0xb8;
	[tilespmem:$0x69A0] =	vst v63  }
0x8e: {  	s16 =	simm.s32 @!p1 $0x7  }
0x8f: {  	_ =	swait.ge @!p1 [sflag:s16], $0x50  }
0x90: {  	[sflag:s16] =	ssyncset.done @!p1 $0x0  }
0x91: {  	[sflag:s16] =	ssyncadd.s32 @!p1 $0xFFFFFFB0;
	s16 =	simm.s32 @!p1 $0x2  }
0x92: {  	_ =	swait.ge @!p1 [sflag:s16], $0x500  }
0x93: {  	s13 =	simm.s32 @!p1 $0xB;
	[sflag:s16] =	ssyncset.done @!p1 $0x0  }
0x94: {  	s22 =	simm.s32 @!p1 $0x2DA0;
	[sflag:s16] =	ssyncadd.s32 @!p1 $0xFFFFFB00;
	s16 =	simm.s32 @!p1 $0x2760  }
0x95: {  	[spmem:s2] =	stream.indirect.scatter.add.f32 @!p1 [tilespmem:s22], [sflag:$0xB], $0x10, s16, s26, $0xb8;
	[tilespmem:$0x69A0] =	vst v63  }
0x96: {  	_ =	swait.ge @!p1 [sflag:s13], $0x500  }
0x97: {  	[sflag:s13] =	ssyncset.done @!p1 $0x0  }
0x98: {  	s3 =	sadd.s32 @!p1 s23, s20;
	[sflag:s13] =	ssyncadd.s32 @!p1 $0xFFFFFB00  }
0x99: {  	[tilespmem:s16], [sflag:$0x7] =	stream.linear.gather @!p1 [hbm4b:s3+s25], $0x50, $0x38;
	[tilespmem:$0x69A0] =	vst v63  }
0x9a: {  	s3 =	sadd.s32 @!p1 $0xFFFFFF10, s24  }
0x9b: {  	[tilespmem:s22], [sflag:$0x2] =	stream.indirect.gather @!p1 [hbm4b:s4+s26], $0x10, s3, s26, $0xb8;
	[tilespmem:$0x69A0] =	vst v63  }
0x9c: {  	_ =	swait.ge [sflag:s11], $0x50  }
0x9d: {  	[sflag:s11] =	ssyncset.done $0x0  }
0x9e: {  	[sflag:s11] =	ssyncadd.s32 $0xFFFFFFB0  }
0x9f: {  	_ =	swait.ge [sflag:s12], $0x500  }
0xa0: {  	[sflag:s12] =	ssyncset.done $0x0  }
0xa1: {  	[sflag:s12] =	ssyncadd.s32 $0xFFFFFB00  }
0xa2: {  	[spmem:s2] =	stream.indirect.scatter.add.f32 [tilespmem:s10], [sflag:$0xB], $0x10, s8, s31, $0xb8;
	[tilespmem:$0x69A0] =	vst v63  }
0xa3: {  	_ =	swait.ge [sflag:s29], $0x500  }
0xa4: {  	[sflag:s29] =	ssyncset.done $0x0  }
0xa5: {  	s3 =	simm.s32 @p1 $0x9;
	[sflag:s29] =	ssyncadd.s32 $0xFFFFFB00  }
0xa6: {  	_ =	swait.ge @p1 [sflag:s3], $0x50  }
0xa7: {  	[sflag:s3] =	ssyncset.done @p1 $0x0  }
0xa8: {  	[sflag:s3] =	ssyncadd.s32 @p1 $0xFFFFFFB0;
	s3 =	simm.s32 @p1 $0x4  }
0xa9: {  	_ =	swait.ge @p1 [sflag:s3], $0x500  }
0xaa: {  	[sflag:s3] =	ssyncset.done @p1 $0x0  }
0xab: {  	s16 =	simm.s32 @p1 $0x37A0;
	[sflag:s3] =	ssyncadd.s32 @p1 $0xFFFFFB00;
	s3 =	simm.s32 @p1 $0x2800  }
0xac: {  	[spmem:s2] =	stream.indirect.scatter.add.f32 @p1 [tilespmem:s16], [sflag:$0xB], $0x10, s3, s28, $0xb8;
	[tilespmem:$0x69A0] =	vst v63  }
0xad: {  	_ =	swait.ge @p1 [sflag:s15], $0x500  }
0xae: {  	[sflag:s15] =	ssyncset.done @p1 $0x0  }
0xaf: {  	s3 =	sadd.s32 @!p1 s23, s19;
	[sflag:s15] =	ssyncadd.s32 @p1 $0xFFFFFB00;
	s15 =	simm.s32 @!p1 $0x27B0  }
0xb0: {  	[tilespmem:s15], [sflag:$0x8] =	stream.linear.gather @!p1 [hbm4b:s3+s25], $0x50, $0x38;
	[tilespmem:$0x69A0] =	vst v63  }
0xb1: {  	s3 =	sadd.s32 @!p1 $0xFFFFFF60, s24;
	s15 =	simm.s32 @!p1 $0x32A0  }
0xb2: {  	[tilespmem:s15], [sflag:$0x3] =	stream.indirect.gather @!p1 [hbm4b:s4+s26], $0x10, s3, s26, $0xb8;
	[tilespmem:$0x69A0] =	vst v63  }
0xb3: {  	s3 =	simm.s32 @!p1 $0x9  }
0xb4: {  	_ =	swait.ge @!p1 [sflag:s3], $0x50  }
0xb5: {  	[sflag:s3] =	ssyncset.done @!p1 $0x0  }
0xb6: {  	[sflag:s3] =	ssyncadd.s32 @!p1 $0xFFFFFFB0;
	s3 =	simm.s32 @!p1 $0x4  }
0xb7: {  	_ =	swait.ge @!p1 [sflag:s3], $0x500  }
0xb8: {  	[sflag:s3] =	ssyncset.done @!p1 $0x0  }
0xb9: {  	s15 =	simm.s32 @!p1 $0x37A0;
	[sflag:s3] =	ssyncadd.s32 @!p1 $0xFFFFFB00;
	s3 =	simm.s32 @!p1 $0x2800  }
0xba: {  	[spmem:s2] =	stream.indirect.scatter.add.f32 @!p1 [tilespmem:s15], [sflag:$0xB], $0x10, s3, s26, $0xb8;
	[tilespmem:$0x69A0] =	vst v63  }
0xbb: {  	_ =	swait.ge @!p1 [sflag:s13], $0x500  }
0xbc: {  	[sflag:s13] =	ssyncset.done @!p1 $0x0  }
0xbd: {  	[sflag:s13] =	ssyncadd.s32 @!p1 $0xFFFFFB00;
	s13 =	sadd.s32 @!p1 s23, s18  }
0xbe: {  	[tilespmem:s3], [sflag:$0x9] =	stream.linear.gather @!p1 [hbm4b:s13+s25], $0x50, $0x38;
	[tilespmem:$0x69A0] =	vst v63  }
0xbf: {  	s3 =	sadd.s32 @!p1 $0xFFFFFFB0, s24  }
0xc0: {  	[tilespmem:s15], [sflag:$0x4] =	stream.indirect.gather @!p1 [hbm4b:s4+s26], $0x10, s3, s26, $0xb8;
	[tilespmem:$0x69A0] =	vst v63  }
0xc1: {  	_ =	swait.ge [sflag:s6], $0x50  }
0xc2: {  	[sflag:s6] =	ssyncset.done $0x0  }
0xc3: {  	[sflag:s6] =	ssyncadd.s32 $0xFFFFFFB0  }
0xc4: {  	_ =	swait.ge [sflag:s5], $0x500  }
0xc5: {  	[sflag:s5] =	ssyncset.done $0x0  }
.Ltmp5:
0xc6: {  	[sflag:s5] =	ssyncadd.s32 $0xFFFFFB00;
	(pc) =	sbr.rel @p1 .LBB2_9-.Ltmp5, $4  }
0xc7: {  	[spmem:s2] =	stream.indirect.scatter.add.f32 [tilespmem:s7], [sflag:$0xB], $0x10, s14, s31, $0xb8;
	[tilespmem:$0x69A0] =	vst v63  }
0xc8: {  	_ =	swait.ge [sflag:s29], $0x500  }
0xc9: {  	[sflag:s29] =	ssyncset.done $0x0  }
0xca: {  	[sflag:s29] =	ssyncadd.s32 $0xFFFFFB00  }
.Ltmp6:
0xcb: {  	s3 =	sadd.s32 s23, s17;
	s13 =	simm.s32 $0x0;
	(pc) =	sbr.rel .LBB2_7-.Ltmp6, $4  }
0xcc: {  	[tilespmem:s14], [sflag:$0xA] =	stream.linear.gather [hbm4b:s3+s13], $0x50, $0x38;
	[tilespmem:$0x69A0] =	vst v63  }
0xcd: {  	_ = 	snop  }
0xce: {  	[tilespmem:s7], [sflag:$0x5] =	stream.indirect.gather [hbm4b:s4+s31], $0x10, s24, s31, $0xb8;
	[tilespmem:$0x69A0] =	vst v63  }
0xcf: {  	s23 =	sadd.s32 $0x32, s23;
	s24 =	sadd.s32 $0x190, s24  }
.LBB2_10:
0xd0: {  	_ =	sfence.sel $0x180000  }
0xd1: {  	[bflag:$0x0] =	sbarrier.arrive $0xFFFF  }
0xd2: {  	_ =	strace $0x90000047  }
0xd3: {  	s0 =	stileid.u32;
	[bflag:$0x2] =	sbarrier.arrive $0xFFFF  }
0xd4: {  	p0 =	sne.s32 s0, $0x0;
	s0 =	rddreg [dreg:$0x2]  }
0xd5: {  	s0 =	sadd.s32 @!p0 $0x100000, s0  }
0xd6: {  	[sflag:s0] =	ssyncadd.tile.s32 @!p0 $0x1;
	_ =	shalt  }
.Lfunc_end2:
_tile_overlayer_lowered:
.L_overlay_start_2:
0xd7: {  	(tag) =	ssettag $0x2  }
0xd8: {  	s0 =	rddreg [dreg:$0x0];
	s2 =	stileid.u32  }
0xd9: {  	s1 =	rddreg [dreg:$0x1];
	p0 =	sne.s32 s2, $0x0  }
0xda: {  	s3 =	rddreg [dreg:$0x2];
	[bflag:$0x3] =	sbarrier.arrive $0xFFFF;
	s2 =	simm.s32 @!p0 $0x1C0B  }
0xdb: {  	[timem:s3], [sflag:s2] =	dma.local @!p0 [hbm:s0], s1  }
0xdc: {  	s0 =	simm.s32 @!p0 $0xB  }
0xdd: {  	_ =	swait.ge @!p0 [sflag:s0], s1  }
0xde: {  	s1 =	ssub.s32 @!p0 $0x0, s1;
	[sflag:s0] =	ssyncset.done @!p0 $0x0  }
0xdf: {  	[sflag:s0] =	ssyncadd.s32 @!p0 s1  }
0xe0: {  	[bflag:$0x3] =	sbarrier.arrive $0xFFFF  }
0xe1: {  	_ =	shalt  }

// kernel: kernel.9.cloned.1.call-start
scs
__scs_entry_jumppad:
0x0: {  	(pc) =	sbr.rel $0x88, $3  }
0x1: {  	(tag) =	ssettag $0x0;
	lr =	simm.s32 $0x1  }
0x2: {  	[smem:$0x3F94] =	sst lr;
	_ =	strace $0xD0000000  }
0x3: {  	_ = 	snop  }
0x4: {  	_ = 	snop  }
0x5: {  	_ = 	snop  }
0x6: {  	_ = 	snop  }
0x7: {  	_ = 	snop  }
__scs_overlays_trampoline_lowered:
0x8: {  	[smem:$0x3FA3] =	sst s0  }
0x9: {  	[smem:$0x3FA4] =	sst s1  }
0xa: {  	[smem:$0x3FA5] =	sst s2  }
0xb: {  	[smem:$0x3FA6] =	sst s3  }
0xc: {  	[smem:$0x3FA7] =	sst s4  }
0xd: {  	[smem:$0x3FA8] =	sst s5  }
0xe: {  	[smem:$0x3FA9] =	sst s6  }
0xf: {  	[smem:$0x3FAA] =	sst s7  }
0x10: {  	[smem:$0x3FAB] =	sst s8  }
0x11: {  	[smem:$0x3FAC] =	sst s9;
	s0 =	simm.s32 @!p0 $0x0  }
0x12: {  	s1 =	sld [smem:$0x3F92];
	s0 =	simm.s32 @p0 $0x1  }
0x13: {  	[smem:$0x3FAD] =	sst s0;
	s0 =	simm.s32 @!p1 $0x0  }
0x14: {  	s2 =	sld [smem:$0x3F91];
	s0 =	simm.s32 @p1 $0x1  }
0x15: {  	[smem:$0x3FAE] =	sst s0;
	s0 =	simm.s32 @!p2 $0x0  }
0x16: {  	s3 =	sld [smem:$0x3FDB];
	s0 =	simm.s32 @p2 $0x1  }
0x17: {  	s4 =	simm.s32 $0x1BF5;
	[smem:$0x3FB0] =	sst s0  }
0x18: {  	s0 =	sld [smem:$0x3F93];
	_ =	swait.ge [sflag:s4], $0x0  }
0x19: {  	s7 =	sld [smem:$0x3F94]  }
0x1a: {  	s8 =	sadd.s32 $0xFFFFE003, lr  }
0x1b: {  	s9 =	sadd.s32 $0xFFFFFEF7, lr;
	s5 =	simm.s32 $0xFFFFFFFF;
	p2 =	slt.u32 s8, $0xFFFFF086  }
0x1c: {  	p1 =	slt.u32 s9, $0xF7A;
	s5 =	simm.s32 @!p2 $0x0  }
0x1d: {  	s5 =	simm.s32 @p1 $0x1;
	p0 =	seq.s32 s7, s2  }
0x1e: {  	s7 =	smul.u32 @!p0 $0xF7A, s2;
	p2 =	seq.s32 @!p0 s5, $0x0  }
0x1f: {  	s9 =	smul.u32 $0xF7A, s1;
	s8 =	simm.s32 @!p0 $0x1BF5;
	p2 =	por !p2, p0  }
0x20: {  	[sflag:s8] =	ssyncset.s32 @!p0 $0xFFFFF086;
	s6 =	sadd.s32 @!p0 s3, s7;
	s7 =	simm.s32 @!p0 $0x108  }
0x21: {  	s3 =	sadd.s32 s3, s9;
	s6 =	sadd.s32 @!p0 $0x88, s6;
	s7 =	simm.s32 @p2 $0x1082  }
0x22: {  	[simem:s7], [sflag:s8] =	dma.local @!p0 [hbm:s6], $0xF7A  }
0x23: {  	s9 =	sor.u32 $0xD0000000, s2;
	s6 =	simm.s32 $0x108;
	_ =	swait.ge @!p0 [sflag:s8], $0x0  }
0x24: {  	s3 =	sadd.s32 $0x88, s3;
	s6 =	simm.s32 @!p1 $0x1082;
	[sflag:s4] =	ssyncset.s32 $0xFFFFF086  }
0x25: {  	[simem:s6], [sflag:s4] =	dma.local [hbm:s3], $0xF7A  }
0x26: {  	[smem:$0x3F94] =	sst s1;
	(tag) =	ssettag s2;
	_ =	strace s9  }
0x27: {  	s1 =	sld [smem:$0x3FA4]  }
0x28: {  	s2 =	sld [smem:$0x3FA5]  }
0x29: {  	s4 =	sld [smem:$0x3FA7]  }
0x2a: {  	p0 =	seq.s32 s5, $0x0;
	s5 =	sld [smem:$0x3FA8]  }
0x2b: {  	s6 =	sld [smem:$0x3FA9]  }
0x2c: {  	s7 =	sld [smem:$0x3FAA]  }
0x2d: {  	s3 =	simm.s32 $0x108;
	s8 =	sld [smem:$0x3FAB]  }
0x2e: {  	s3 =	simm.s32 @!p0 $0x1082;
	s9 =	sld [smem:$0x3FAC]  }
0x2f: {  	lr =	sadd.s32 s0, s3;
	s0 =	sld [smem:$0x3FA3]  }
0x30: {  	s3 =	sld [smem:$0x3FA6]  }
0x31: {  	[smem:$0x3FAF] =	sst s10  }
0x32: {  	s10 =	sld [smem:$0x3FAD];
	_ =	sdelay $0x3  }
0x33: {  	p0 =	seq.s32 s10, $0x1;
	s10 =	sld [smem:$0x3FAF];
	_ =	sdelay $0x3  }
0x34: {  	[smem:$0x3FAF] =	sst s10  }
0x35: {  	s10 =	sld [smem:$0x3FAE];
	_ =	sdelay $0x3  }
0x36: {  	p1 =	seq.s32 s10, $0x1;
	s10 =	sld [smem:$0x3FAF];
	_ =	sdelay $0x3  }
0x37: {  	[smem:$0x3FAF] =	sst s10  }
0x38: {  	s10 =	sld [smem:$0x3FB0]  }
0x39: {  	_ = 	snop;
	(pc) =	sbr.ind lr, $3  }
0x3a: {  	_ = 	snop  }
0x3b: {  	_ = 	snop  }
0x3c: {  	p2 =	seq.s32 s10, $0x1;
	s10 =	sld [smem:$0x3FAF]  }
0x3d: {  	_ =	shalt  }
0x3e: {  	_ =	shalt  }
0x3f: {  	_ =	shalt  }
0x40: {  	_ =	shalt  }
0x41: {  	_ =	shalt  }
0x42: {  	_ =	shalt  }
0x43: {  	_ =	shalt  }
0x44: {  	_ =	shalt  }
0x45: {  	_ =	shalt  }
0x46: {  	_ =	shalt  }
0x47: {  	_ =	shalt  }
0x48: {  	_ =	shalt  }
0x49: {  	_ =	shalt  }
0x4a: {  	_ =	shalt  }
0x4b: {  	_ =	shalt  }
0x4c: {  	_ =	shalt  }
0x4d: {  	_ =	shalt  }
0x4e: {  	_ =	shalt  }
0x4f: {  	_ =	shalt  }
0x50: {  	_ =	shalt  }
0x51: {  	_ =	shalt  }
0x52: {  	_ =	shalt  }
0x53: {  	_ =	shalt  }
0x54: {  	_ =	shalt  }
0x55: {  	_ =	shalt  }
0x56: {  	_ =	shalt  }
0x57: {  	_ =	shalt  }
0x58: {  	_ =	shalt  }
0x59: {  	_ =	shalt  }
0x5a: {  	_ =	shalt  }
0x5b: {  	_ =	shalt  }
0x5c: {  	_ =	shalt  }
0x5d: {  	_ =	shalt  }
0x5e: {  	_ =	shalt  }
0x5f: {  	_ =	shalt  }
0x60: {  	_ =	shalt  }
0x61: {  	_ =	shalt  }
0x62: {  	_ =	shalt  }
0x63: {  	_ =	shalt  }
0x64: {  	_ =	shalt  }
0x65: {  	_ =	shalt  }
0x66: {  	_ =	shalt  }
0x67: {  	_ =	shalt  }
0x68: {  	_ =	shalt  }
0x69: {  	_ =	shalt  }
0x6a: {  	_ =	shalt  }
0x6b: {  	_ =	shalt  }
0x6c: {  	_ =	shalt  }
0x6d: {  	_ =	shalt  }
0x6e: {  	_ =	shalt  }
0x6f: {  	_ =	shalt  }
0x70: {  	_ =	shalt  }
0x71: {  	_ =	shalt  }
0x72: {  	_ =	shalt  }
0x73: {  	_ =	shalt  }
0x74: {  	_ =	shalt  }
0x75: {  	_ =	shalt  }
0x76: {  	_ =	shalt  }
0x77: {  	_ =	shalt  }
0x78: {  	_ =	shalt  }
0x79: {  	_ =	shalt  }
0x7a: {  	_ =	shalt  }
0x7b: {  	_ =	shalt  }
0x7c: {  	_ =	shalt  }
0x7d: {  	_ =	shalt  }
0x7e: {  	_ =	shalt  }
0x7f: {  	_ =	shalt  }
0x80: {  	_ =	shalt  }
0x81: {  	_ =	shalt  }
0x82: {  	_ =	shalt  }
0x83: {  	_ =	shalt  }
0x84: {  	_ =	shalt  }
0x85: {  	_ =	shalt  }
0x86: {  	_ =	shalt  }
0x87: {  	_ =	shalt  }
.Lfunc_end0:
.L_simem_size_0:
called_computation.1_lowered:
.L_overlay_start_0:
0x88: {  	s2 =	sld [smem:$0x3FD9]  }
0x89: {  	s3 =	sld [smem:$0x3FFE];
	_ =	sdelay $0x1  }
0x8a: {  	s1 =	srdreg.scid  }
0x8b: {  	s0 =	sand.u32 $0x1, s1  }
0x8c: {  	s16 =	sshll.u32 s0, $0xA;
	s2 =	sadd.s32 s3, s2  }
0x8d: {  	s2 =	sadd.s32 s2, s16  }
0x8e: {  	[smem:$0x3FBB] =	sst s2  }
0x8f: {  	_ = 	snop  }
0x90: {  	(tm) =	ssettm $0x1  }
0x91: {  	s17 =	sld [smem:$0x3FFB];
	_ =	sdelay $0x3  }
0x92: {  	_ =	strace s17  }
0x93: {  	s2 =	sld [smem:$0x3FFC];
	_ =	sdelay $0x3  }
0x94: {  	_ =	strace s2  }
0x95: {  	s2 =	sld [smem:$0x3FFD];
	_ =	sdelay $0x3  }
0x96: {  	_ =	strace s2  }
0x97: {  	_ =	strace $0x8FFFFFFF  }
0x98: {  	s18 =	sld [smem:$0x3FDB];
	_ =	sdelay $0x1  }
0x99: {  	s19 =	simm.s32 $_scs_section_size  }
0x9a: {  	s4 =	simm.s32 $_size__tile_overlayer_lowered;
	s5 =	simm.s32 $_tile_overlayer_lowered  }
0x9b: {  	s22 =	simm.s32 $0x1BFF;
	s21 =	sshll.u32 s5, $0x1;
	s2 =	sadd.s32 s19, s18  }
0x9c: {  	s6 =	simm.s32 $0x0;
	s20 =	sshll.u32 s4, $0x1;
	s4 =	sadd.s32 s21, s2  }
0x9d: {  	[timem:s6], [sflag:s22] =	dma.local [hbm:s4], s20  }
0x9e: {  	_ =	swait.ge [sflag:s22], s20  }
0x9f: {  	s3 =	ssub.s32 $0x0, s20;
	[sflag:s22] =	ssyncset.done $0x0  }
0xa0: {  	[sflag:s22] =	ssyncadd.s32 s3;
	_ =	sdelay $0x1  }
0xa1: {  	s23 =	simm.s32 $0x1B8B  }
0xa2: {  	_ =	swait.ge [sflag:s23], $0x1  }
0xa3: {  	[sflag:s23] =	ssyncset.done $0x0  }
0xa4: {  	s25 =	simm.s32 $0x1B8E;
	s24 =	sld [smem:$0x3FFE];
	[sflag:s23] =	ssyncadd.s32 $0xFFFFFFFF  }
0xa5: {  	s26 =	simm.s32 $execute0_lowered;
	[smem:$0x3FD2] =	sst s25  }
0xa6: {  	s4 =	sshll.u32 s26, $0x1;
	_ =	strace $0x80000049;
	[dreg:$0x1] =	wrdreg $0xFFFFFFFF  }
0xa7: {  	s28 =	simm.s32 $_size_execute0_lowered;
	s2 =	sadd.s32 s2, s4;
	[dreg:$0x0] =	wrdreg $0x0  }
0xa8: {  	s4 =	sshll.u32 s28, $0x1;
	[dreg:$0x2] =	wrdreg s2  }
0xa9: {  	[dreg:$0x3] =	wrdreg s4  }
0xaa: {  	[dreg:$0x4] =	wrdreg $0xC0  }
0xab: {  	_ =	task [dreg:s6], $0x5FFFF  }
0xac: {  	[dreg:$0x1] =	wrdreg $0xFFFFFFFF  }
0xad: {  	[dreg:$0x0] =	wrdreg $0x60  }
0xae: {  	[dreg:$0x2] =	wrdreg s24  }
0xaf: {  	[dreg:$0x3] =	wrdreg $0xA0000  }
0xb0: {  	[dreg:$0x4] =	wrdreg $0x9  }
0xb1: {  	_ =	task.clear_ibuf [dreg:s6], $0x5FFFF;
	_ =	strace $0x90000049  }
0xb2: {  	s29 =	simm.s32 $0x9;
	_ =	strace $0x8000004B  }
0xb3: {  	_ =	swait.ge [sflag:s29], $0x1  }
0xb4: {  	[sflag:s29] =	ssyncadd.s32 $0xFFFFFFFF  }
0xb5: {  	_ =	strace $0x9000004B  }
0xb6: {  	_ =	sfence  }
0xb7: {  	s30 =	sld [smem:$0x0];
	_ =	sdelay $0x2  }
0xb8: {  	s31 =	sshll.u32 s1, $0xD;
	s1 =	sshrl.u32 s1, $0x2  }
0xb9: {  	s3 =	sand.u32 $0x4000, s31;
	s1 =	sadd.s32 s1, s30  }
0xba: {  	s0 =	sor.u32 s3, s0;
	s1 =	sshll.u32 s1, $0x11  }
0xbb: {  	s0 =	sor.u32 s1, s0  }
0xbc: {  	s0 =	sadd.s32 $0x8F2B, s0  }
0xbd: {  	[sflag:s0] =	ssyncadd.remote.s32 $0x1  }
0xbe: {  	_ =	sfence.sel $0xFFFF  }
0xbf: {  	[dreg:$0x0] =	wrdreg $0xFFFFFFFF;
	(pc) =	sbr.abs _section_cstart, $3  }
0xc0: {  	[dreg:$0x1] =	wrdreg $0xFFFFFFFF  }
0xc1: {  	_ =	task.clear_ibuf [dreg:s6], $0x2FFFF;
	_ =	strace $0x9FFFFFFF  }
0xc2: {  	(tm) =	ssettm $0x7FFFFFFF  }
0xc3: {  	_ =	shalt  }
tec
execute0_lowered:
.L_overlay_start_1:
0x0: {  	(tag) =	ssettag $0x1  }
0x1: {  	s0 =	rddreg [dreg:$0x0];
	s1 =	srdreg.scid  }
0x2: {  	s11 =	stileid.u32;
	s2 =	rddreg [dreg:$0x1];
	s3 =	simm.s32 $0x0  }
0x3: {  	s28 =	simm.s32 $0x2710;
	s29 =	simm.s32 $0x50;
	s30 =	simm.s32 $0x2800  }
0x4: {  	s31 =	simm.s32 $0x2760;
	s1 =	sand.u32 $0x1, s1;
	s5 =	smul.u32 $0x14000, s11  }
0x5: {  	[smem:$0x7FF] =	sst s3;
	s6 =	sadd.s32 $0x2400, s0;
	s8 =	smul.u32 $0x50000, s11  }
0x6: {  	s10 =	sshll.u32 s11, $0x1;
	s20 =	smul.u32 $0x4E20, s11;
	s11 =	simm.s32 $0x5  }
0x7: {  	s4 =	smul.u32 $0x140000, s1;
	_ =	strace $0x8000004A;
	s23 =	ssub.s32 $0x2, s1  }
0x8: {  	s24 =	sor.u32 s1, s10;
	s21 =	smul.u32 $0x2710, s1;
	p0 =	sne.s32 s1, $0x0  }
0x9: {  	s1 =	simm.s32 $0x5000;
	s10 =	simm.s32 $0x1;
	s9 =	sshrl.u32 s23, $0x1  }
0xa: {  	s8 =	sshrl.u32 s8, $0x2;
	s26 =	smul.u32 $0x2710, s24;
	s19 =	sadd.s32 s5, s2  }
0xb: {  	s4 =	sadd.s32 s5, s4;
	s25 =	sadd.s32 s8, s2;
	[dreg:$0xb] =	wrdreg s19  }
0xc: {  	s5 =	sshrl.u32 s5, $0x3;
	s12 =	sadd.s32 $0x2800, s25;
	[dreg:$0x3] =	wrdreg s25  }
0xd: {  	s7 =	sshrl.u32 s4, $0x3;
	s13 =	sadd.s32 $0x5000, s25;
	[dreg:$0x4] =	wrdreg s12  }
0xe: {  	s4 =	sadd.s32 $0x15E00, s0;
	s14 =	sadd.s32 $0x7800, s25;
	[dreg:$0x5] =	wrdreg s13  }
0xf: {  	s15 =	sadd.s32 $0xA000, s25;
	s16 =	sadd.s32 $0xC800, s25;
	[dreg:$0x6] =	wrdreg s14  }
0x10: {  	s17 =	sadd.s32 $0xF000, s25;
	s18 =	sadd.s32 $0x11800, s25;
	[dreg:$0x7] =	wrdreg s15  }
0x11: {  	s8 =	sshrl.u32 s26, $0x3;
	s25 =	sadd.s32 s21, s20;
	[dreg:$0x8] =	wrdreg s16  }
0x12: {  	s0 =	sadd.s32 s7, s0;
	s7 =	ssub.s32 s23, s9;
	[dreg:$0x9] =	wrdreg s17  }
0x13: {  	[dreg:$0xa] =	wrdreg s18;
	s5 =	sadd.s32 s4, s5;
	s15 =	sadd.s32 s6, s8  }
0x14: {  	s26 =	sadd.s32 $0x4E340, s25;
	[dreg:$0xc] =	wrdreg s5;
	s8 =	sadd.s32 $0x9C40, s15  }
0x15: {  	s9 =	simm.s32 $0x4;
	s22 =	sadd.s32 $0x9C4A, s15;
	[dreg:$0xd] =	wrdreg s8  }
0x16: {  	s12 =	simm.s32 $0x2;
	s23 =	sadd.s32 $0x9C54, s15;
	[dreg:$0xe] =	wrdreg s22  }
0x17: {  	s14 =	simm.s32 $0x6;
	s0 =	sadd.s32 $0x3DE00, s0;
	[dreg:$0xf] =	wrdreg s23  }
0x18: {  	s24 =	smax.u32 s7, $0x1;
	s5 =	sadd.s32 $0x4E390, s25;
	[dreg:$0x10] =	wrdreg s0  }
0x19: {  	s7 =	sshrl.u32 s26, $0x3;
	s26 =	simm.s32 $0x7;
	[dreg:$0x11] =	wrdreg s24  }
0x1a: {  	s0 =	sadd.s32 $0x4E2F0, s25;
	s5 =	sshrl.u32 s5, $0x3;
	s22 =	sadd.s32 s7, s6  }
0x1b: {  	s24 =	sadd.s32 $0xA10E, s15;
	s25 =	sadd.s32 $0xA118, s15;
	s8 =	simm.s32 $0x7800  }
0x1c: {  	s7 =	simm.s32 $0x0;
	s0 =	sshrl.u32 s0, $0x3;
	s21 =	sadd.s32 s5, s6  }
0x1d: {  	v0 =	vimm.f32 $0.0e+00;
	s23 =	sadd.s32 s0, s6;
	s6 =	simm.s32 $0x27B0;
	s0 =	simm.s32 $0x3  }
.LBB2_1:
.Ltmp0:
0x1e: {  	(pc) =	sbr.rel @p0 .LBB2_3-.Ltmp0, $4  }
0x1f: {  	_ = 	snop  }
0x20: {  	s5 =	stileid.u32  }
0x21: {  	s20 =	rddreg [dreg:$0xb];
	s13 =	sshll.u32 s5, $0x6  }
0x22: {  	s5 =	sshrl.u32 s20, $0x3;
	s13 =	sor.u32 $0x1C07, s13  }
.Ltmp1:
0x23: {  	(pc) =	sbr.rel .LBB2_6-.Ltmp1, $3  }
0x24: {  	_ =	sdelay $0x1  }
0x25: {  	s16 =	rddreg [dreg:$0xc]  }
0x26: {  	[spmem:s5], [sflag:s13] =	dma.local [hbm:s16], $0x2800  }
.LBB2_3:
0x27: {  	s16 =	sshra.s32 s3, $0x2;
	s17 =	sadd.s32 $0x200, s3  }
.LBB2_4:
0x28: {  	p1 =	sne.s32 s17, $0x9E00;
	[tilespmem:s16+$0x2870] =	vst v0  }
0x29: {  	[tilespmem:s16+$0x2800] =	vst v0  }
0x2a: {  	[tilespmem:s16+$0x2810] =	vst v0  }
.Ltmp2:
0x2b: {  	[tilespmem:s16+$0x2820] =	vst v0;
	(pc) =	sbr.rel @p1 .LBB2_4-.Ltmp2, $4  }
0x2c: {  	[tilespmem:s16+$0x2830] =	vst v0  }
0x2d: {  	[tilespmem:s16+$0x2840] =	vst v0  }
0x2e: {  	[tilespmem:s16+$0x2850] =	vst v0  }
0x2f: {  	[tilespmem:s16+$0x2860] =	vst v0;
	s16 =	sshra.s32 s17, $0x2;
	s17 =	sadd.s32 $0x200, s17  }
0x30: {  	[tilespmem:s16+$0x2870] =	vst v0  }
0x31: {  	[tilespmem:s16+$0x2800] =	vst v0  }
0x32: {  	[tilespmem:s16+$0x2810] =	vst v0  }
0x33: {  	[tilespmem:s16+$0x2820] =	vst v0  }
0x34: {  	[tilespmem:s16+$0x2830] =	vst v0  }
0x35: {  	[tilespmem:s16+$0x2840] =	vst v0  }
0x36: {  	[tilespmem:s16+$0x2850] =	vst v0  }
0x37: {  	[tilespmem:s16+$0x2860] =	vst v0;
	s17 =	rddreg [dreg:$0x3]  }
0x38: {  	[spmem:s17] =	stream.linear.scatter [tilespmem:s30], [sflag:$0x7], $0x2800, $0x38;
	[tilespmem:$0x1E000] =	vst v63  }
0x39: {  	_ =	swait.ge [sflag:s26], $0x2800  }
0x3a: {  	[sflag:s26] =	ssyncset.done $0x0  }
0x3b: {  	s18 =	rddreg [dreg:$0x4];
	[sflag:s26] =	ssyncadd.s32 $0xFFFFD800  }
0x3c: {  	[spmem:s18] =	stream.linear.scatter [tilespmem:s30], [sflag:$0x7], $0x2800, $0x38;
	[tilespmem:$0x1E000] =	vst v63  }
0x3d: {  	_ =	swait.ge [sflag:s26], $0x2800  }
0x3e: {  	[sflag:s26] =	ssyncset.done $0x0  }
0x3f: {  	s19 =	rddreg [dreg:$0x5];
	[sflag:s26] =	ssyncadd.s32 $0xFFFFD800  }
0x40: {  	[spmem:s19] =	stream.linear.scatter [tilespmem:s30], [sflag:$0x7], $0x2800, $0x38;
	[tilespmem:$0x1E000] =	vst v63  }
0x41: {  	_ =	swait.ge [sflag:s26], $0x2800  }
0x42: {  	[sflag:s26] =	ssyncset.done $0x0  }
0x43: {  	s20 =	rddreg [dreg:$0x6];
	[sflag:s26] =	ssyncadd.s32 $0xFFFFD800  }
0x44: {  	[spmem:s20] =	stream.linear.scatter [tilespmem:s30], [sflag:$0x7], $0x2800, $0x38;
	[tilespmem:$0x1E000] =	vst v63  }
0x45: {  	_ =	swait.ge [sflag:s26], $0x2800  }
0x46: {  	[sflag:s26] =	ssyncset.done $0x0  }
0x47: {  	s17 =	rddreg [dreg:$0x7];
	[sflag:s26] =	ssyncadd.s32 $0xFFFFD800  }
0x48: {  	[spmem:s17] =	stream.linear.scatter [tilespmem:s30], [sflag:$0x7], $0x2800, $0x38;
	[tilespmem:$0x1E000] =	vst v63  }
0x49: {  	_ =	swait.ge [sflag:s26], $0x2800  }
0x4a: {  	[sflag:s26] =	ssyncset.done $0x0  }
0x4b: {  	s18 =	rddreg [dreg:$0x8];
	[sflag:s26] =	ssyncadd.s32 $0xFFFFD800  }
0x4c: {  	[spmem:s18] =	stream.linear.scatter [tilespmem:s30], [sflag:$0x7], $0x2800, $0x38;
	[tilespmem:$0x1E000] =	vst v63  }
0x4d: {  	_ =	swait.ge [sflag:s26], $0x2800  }
0x4e: {  	[sflag:s26] =	ssyncset.done $0x0  }
0x4f: {  	s19 =	rddreg [dreg:$0x9];
	[sflag:s26] =	ssyncadd.s32 $0xFFFFD800  }
0x50: {  	[spmem:s19] =	stream.linear.scatter [tilespmem:s30], [sflag:$0x7], $0x2800, $0x38;
	[tilespmem:$0x1E000] =	vst v63  }
0x51: {  	_ =	swait.ge [sflag:s26], $0x2800  }
0x52: {  	[sflag:s26] =	ssyncset.done $0x0  }
0x53: {  	s20 =	rddreg [dreg:$0xa];
	[sflag:s26] =	ssyncadd.s32 $0xFFFFD800  }
0x54: {  	[spmem:s20] =	stream.linear.scatter [tilespmem:s30], [sflag:$0x7], $0x2800, $0x38;
	[tilespmem:$0x1E000] =	vst v63  }
.LBB2_6:
0x55: {  	_ =	swait.ge [sflag:s26], $0x2800  }
0x56: {  	[sflag:s26] =	ssyncset.done $0x0  }
0x57: {  	s16 =	simm.s32 $0x0;
	[sflag:s26] =	ssyncadd.s32 $0xFFFFD800  }
0x58: {  	[tilespmem:s16], [sflag:$0x7] =	stream.linear.gather [hbm4b:s15+s16], $0x2710, $0x38;
	[tilespmem:$0x1E000] =	vst v63  }
0x59: {  	_ =	swait.ge [sflag:s26], $0x2710  }
0x5a: {  	[sflag:s26] =	ssyncset.done $0x0  }
0x5b: {  	[sflag:s26] =	ssyncadd.s32 $0xFFFFD8F0  }
0x5c: {  	[bflag:$0x0] =	sbarrier.arrive $0xFFFF  }
0x5d: {  	s17 =	rddreg [dreg:$0xd]  }
0x5e: {  	[tilespmem:s28], [sflag:$0x4] =	stream.linear.gather [hbm4b:s17+s16], $0x50, $0x38;
	[tilespmem:$0x1E000] =	vst v63  }
0x5f: {  	_ = 	snop  }
0x60: {  	[tilespmem:s30], [sflag:$0x1] =	stream.indirect.gather [hbm4b:s4+s29], $0x80, s16, s29, $0xb8;
	[tilespmem:$0x1E000] =	vst v63  }
0x61: {  	s20 =	rddreg [dreg:$0xe]  }
0x62: {  	[tilespmem:s31], [sflag:$0x5] =	stream.linear.gather [hbm4b:s20+s16], $0x50, $0x38;
	[tilespmem:$0x1E000] =	vst v63  }
0x63: {  	_ = 	snop  }
0x64: {  	[tilespmem:s1], [sflag:$0x2] =	stream.indirect.gather [hbm4b:s4+s29], $0x80, s29, s29, $0xb8;
	[tilespmem:$0x1E000] =	vst v63  }
0x65: {  	s18 =	rddreg [dreg:$0xf]  }
0x66: {  	[tilespmem:s6], [sflag:$0x6] =	stream.linear.gather [hbm4b:s18+s16], $0x50, $0x38;
	[tilespmem:$0x1E000] =	vst v63  }
0x67: {  	s19 =	simm.s32 $0xA0  }
0x68: {  	[tilespmem:s8], [sflag:$0x3] =	stream.indirect.gather [hbm4b:s4+s29], $0x80, s19, s29, $0xb8;
	[tilespmem:$0x1E000] =	vst v63  }
0x69: {  	_ =	swait.ge [sflag:s9], $0x50  }
0x6a: {  	[sflag:s9] =	ssyncset.done $0x0  }
0x6b: {  	[sflag:s9] =	ssyncadd.s32 $0xFFFFFFB0  }
0x6c: {  	_ =	swait.ge [sflag:s10], $0x2800  }
0x6d: {  	[sflag:s10] =	ssyncset.done $0x0  }
0x6e: {  	[sflag:s10] =	ssyncadd.s32 $0xFFFFD800  }
0x6f: {  	[spmem:s2] =	stream.indirect.scatter.add.f32 [tilespmem:s30], [sflag:$0x7], $0x80, s28, s29, $0xb8;
	[tilespmem:$0x1E000] =	vst v63  }
0x70: {  	_ =	swait.ge [sflag:s26], $0x2800  }
0x71: {  	[sflag:s26] =	ssyncset.done $0x0  }
0x72: {  	s20 =	sadd.s32 $0x0, s23;
	[sflag:s26] =	ssyncadd.s32 $0xFFFFD800  }
0x73: {  	[tilespmem:s28], [sflag:$0x4] =	stream.linear.gather [hbm4b:s20+s3], $0x50, $0x38;
	[tilespmem:$0x1E000] =	vst v63  }
0x74: {  	s17 =	simm.s32 $0xF0  }
0x75: {  	[tilespmem:s30], [sflag:$0x1] =	stream.indirect.gather [hbm4b:s4+s29], $0x80, s17, s29, $0xb8;
	[tilespmem:$0x1E000] =	vst v63  }
0x76: {  	_ =	swait.ge [sflag:s11], $0x50  }
0x77: {  	[sflag:s11] =	ssyncset.done $0x0  }
0x78: {  	[sflag:s11] =	ssyncadd.s32 $0xFFFFFFB0  }
0x79: {  	_ =	swait.ge [sflag:s12], $0x2800  }
0x7a: {  	[sflag:s12] =	ssyncset.done $0x0  }
0x7b: {  	[sflag:s12] =	ssyncadd.s32 $0xFFFFD800  }
0x7c: {  	[spmem:s2] =	stream.indirect.scatter.add.f32 [tilespmem:s1], [sflag:$0x7], $0x80, s31, s29, $0xb8;
	[tilespmem:$0x1E000] =	vst v63  }
0x7d: {  	_ =	swait.ge [sflag:s26], $0x2800  }
0x7e: {  	[sflag:s26] =	ssyncset.done $0x0  }
0x7f: {  	s18 =	sadd.s32 $0x0, s22;
	[sflag:s26] =	ssyncadd.s32 $0xFFFFD800  }
0x80: {  	[tilespmem:s31], [sflag:$0x5] =	stream.linear.gather [hbm4b:s18+s3], $0x50, $0x38;
	[tilespmem:$0x1E000] =	vst v63  }
0x81: {  	s19 =	simm.s32 $0x140  }
0x82: {  	[tilespmem:s1], [sflag:$0x2] =	stream.indirect.gather [hbm4b:s4+s29], $0x80, s19, s29, $0xb8;
	[tilespmem:$0x1E000] =	vst v63  }
0x83: {  	_ =	swait.ge [sflag:s14], $0x50  }
0x84: {  	[sflag:s14] =	ssyncset.done $0x0  }
0x85: {  	[sflag:s14] =	ssyncadd.s32 $0xFFFFFFB0  }
0x86: {  	_ =	swait.ge [sflag:s0], $0x2800  }
0x87: {  	[sflag:s0] =	ssyncset.done $0x0  }
0x88: {  	[sflag:s0] =	ssyncadd.s32 $0xFFFFD800  }
0x89: {  	[spmem:s2] =	stream.indirect.scatter.add.f32 [tilespmem:s8], [sflag:$0x7], $0x80, s6, s29, $0xb8;
	[tilespmem:$0x1E000] =	vst v63  }
0x8a: {  	_ =	swait.ge [sflag:s26], $0x2800  }
0x8b: {  	s16 =	simm.s32 $0x190;
	s20 =	sadd.s32 $0x0, s21;
	[sflag:s26] =	ssyncset.done $0x0  }
0x8c: {  	s17 =	simm.s32 $0x1E;
	s18 =	simm.s32 $0x280;
	[sflag:s26] =	ssyncadd.s32 $0xFFFFD800  }
0x8d: {  	[tilespmem:s6], [sflag:$0x6] =	stream.linear.gather [hbm4b:s20+s3], $0x50, $0x38;
	[tilespmem:$0x1E000] =	vst v63  }
.LBB2_7:
0x8e: {  	[tilespmem:s8], [sflag:$0x3] =	stream.indirect.gather [hbm4b:s4+s29], $0x80, s16, s29, $0xb8;
	[tilespmem:$0x1E000] =	vst v63  }
0x8f: {  	s19 =	smov.u32 s17;
	s16 =	smov.u32 s18  }
0x90: {  	p1 =	sne.s32 s17, $0x492;
	s17 =	sadd.s32 $0x1E, s17;
	_ =	swait.ge [sflag:s9], $0x50  }
0x91: {  	[sflag:s9] =	ssyncset.done $0x0  }
0x92: {  	[sflag:s9] =	ssyncadd.s32 $0xFFFFFFB0  }
0x93: {  	_ =	swait.ge [sflag:s10], $0x2800  }
0x94: {  	[sflag:s10] =	ssyncset.done $0x0  }
0x95: {  	[sflag:s10] =	ssyncadd.s32 $0xFFFFD800  }
0x96: {  	[spmem:s2] =	stream.indirect.scatter.add.f32 [tilespmem:s30], [sflag:$0x7], $0x80, s28, s29, $0xb8;
	[tilespmem:$0x1E000] =	vst v63  }
0x97: {  	_ =	swait.ge [sflag:s26], $0x2800  }
0x98: {  	[sflag:s26] =	ssyncset.done $0x0  }
0x99: {  	s20 =	sadd.s32 s19, s23;
	[sflag:s26] =	ssyncadd.s32 $0xFFFFD800  }
0x9a: {  	[tilespmem:s28], [sflag:$0x4] =	stream.linear.gather [hbm4b:s20+s3], $0x50, $0x38;
	[tilespmem:$0x1E000] =	vst v63  }
0x9b: {  	s20 =	sadd.s32 $0xFFFFFF60, s18  }
0x9c: {  	[tilespmem:s30], [sflag:$0x1] =	stream.indirect.gather [hbm4b:s4+s29], $0x80, s20, s29, $0xb8;
	[tilespmem:$0x1E000] =	vst v63  }
0x9d: {  	_ =	swait.ge [sflag:s11], $0x50  }
0x9e: {  	[sflag:s11] =	ssyncset.done $0x0  }
0x9f: {  	[sflag:s11] =	ssyncadd.s32 $0xFFFFFFB0  }
0xa0: {  	_ =	swait.ge [sflag:s12], $0x2800  }
0xa1: {  	[sflag:s12] =	ssyncset.done $0x0  }
0xa2: {  	[sflag:s12] =	ssyncadd.s32 $0xFFFFD800  }
0xa3: {  	[spmem:s2] =	stream.indirect.scatter.add.f32 [tilespmem:s1], [sflag:$0x7], $0x80, s31, s29, $0xb8;
	[tilespmem:$0x1E000] =	vst v63  }
0xa4: {  	_ =	swait.ge [sflag:s26], $0x2800  }
0xa5: {  	[sflag:s26] =	ssyncset.done $0x0  }
0xa6: {  	s20 =	sadd.s32 s19, s22;
	[sflag:s26] =	ssyncadd.s32 $0xFFFFD800  }
0xa7: {  	[tilespmem:s31], [sflag:$0x5] =	stream.linear.gather [hbm4b:s20+s3], $0x50, $0x38;
	[tilespmem:$0x1E000] =	vst v63  }
0xa8: {  	s20 =	sadd.s32 $0xFFFFFFB0, s18  }
0xa9: {  	[tilespmem:s1], [sflag:$0x2] =	stream.indirect.gather [hbm4b:s4+s29], $0x80, s20, s29, $0xb8;
	[tilespmem:$0x1E000] =	vst v63  }
0xaa: {  	_ =	swait.ge [sflag:s14], $0x50  }
0xab: {  	[sflag:s14] =	ssyncset.done $0x0  }
0xac: {  	[sflag:s14] =	ssyncadd.s32 $0xFFFFFFB0  }
0xad: {  	_ =	swait.ge [sflag:s0], $0x2800  }
0xae: {  	[sflag:s0] =	ssyncset.done $0x0  }
0xaf: {  	[sflag:s0] =	ssyncadd.s32 $0xFFFFD800  }
0xb0: {  	[spmem:s2] =	stream.indirect.scatter.add.f32 [tilespmem:s8], [sflag:$0x7], $0x80, s6, s29, $0xb8;
	[tilespmem:$0x1E000] =	vst v63  }
.Ltmp3:
0xb1: {  	_ =	swait.ge [sflag:s26], $0x2800;
	(pc) =	sbr.rel @p1 .LBB2_7-.Ltmp3, $4  }
0xb2: {  	[sflag:s26] =	ssyncset.done $0x0  }
0xb3: {  	s19 =	sadd.s32 s19, s21;
	[sflag:s26] =	ssyncadd.s32 $0xFFFFD800  }
0xb4: {  	[tilespmem:s6], [sflag:$0x6] =	stream.linear.gather [hbm4b:s19+s3], $0x50, $0x38;
	[tilespmem:$0x1E000] =	vst v63  }
0xb5: {  	s18 =	sadd.s32 $0xF0, s18  }
0xb6: {  	[tilespmem:s8], [sflag:$0x3] =	stream.indirect.gather [hbm4b:s4+s29], $0x80, s16, s29, $0xb8;
	[tilespmem:$0x1E000] =	vst v63  }
0xb7: {  	_ =	swait.ge [sflag:s9], $0x50  }
0xb8: {  	[sflag:s9] =	ssyncset.done $0x0  }
0xb9: {  	[sflag:s9] =	ssyncadd.s32 $0xFFFFFFB0  }
0xba: {  	_ =	swait.ge [sflag:s10], $0x2800  }
0xbb: {  	[sflag:s10] =	ssyncset.done $0x0  }
0xbc: {  	[sflag:s10] =	ssyncadd.s32 $0xFFFFD800  }
0xbd: {  	[spmem:s2] =	stream.indirect.scatter.add.f32 [tilespmem:s30], [sflag:$0x7], $0x80, s28, s29, $0xb8;
	[tilespmem:$0x1E000] =	vst v63  }
0xbe: {  	_ =	swait.ge [sflag:s26], $0x2800  }
0xbf: {  	[sflag:s26] =	ssyncset.done $0x0  }
0xc0: {  	[sflag:s26] =	ssyncadd.s32 $0xFFFFD800  }
0xc1: {  	[tilespmem:s28], [sflag:$0x4] =	stream.linear.gather [hbm4b:s24+s3], $0x50, $0x38;
	[tilespmem:$0x1E000] =	vst v63  }
0xc2: {  	s17 =	simm.s32 $0x2670  }
0xc3: {  	[tilespmem:s30], [sflag:$0x1] =	stream.indirect.gather [hbm4b:s4+s29], $0x80, s17, s29, $0xb8;
	[tilespmem:$0x1E000] =	vst v63  }
0xc4: {  	_ =	swait.ge [sflag:s11], $0x50  }
0xc5: {  	[sflag:s11] =	ssyncset.done $0x0  }
0xc6: {  	[sflag:s11] =	ssyncadd.s32 $0xFFFFFFB0  }
0xc7: {  	_ =	swait.ge [sflag:s12], $0x2800  }
0xc8: {  	[sflag:s12] =	ssyncset.done $0x0  }
0xc9: {  	[sflag:s12] =	ssyncadd.s32 $0xFFFFD800  }
0xca: {  	[spmem:s2] =	stream.indirect.scatter.add.f32 [tilespmem:s1], [sflag:$0x7], $0x80, s31, s29, $0xb8;
	[tilespmem:$0x1E000] =	vst v63  }
0xcb: {  	_ =	swait.ge [sflag:s26], $0x2800  }
0xcc: {  	[sflag:s26] =	ssyncset.done $0x0  }
0xcd: {  	[sflag:s26] =	ssyncadd.s32 $0xFFFFD800  }
0xce: {  	[tilespmem:s31], [sflag:$0x5] =	stream.linear.gather [hbm4b:s25+s3], $0x50, $0x38;
	[tilespmem:$0x1E000] =	vst v63  }
0xcf: {  	s18 =	simm.s32 $0x26C0  }
0xd0: {  	[tilespmem:s1], [sflag:$0x2] =	stream.indirect.gather [hbm4b:s4+s29], $0x80, s18, s29, $0xb8;
	[tilespmem:$0x1E000] =	vst v63  }
0xd1: {  	_ =	swait.ge [sflag:s14], $0x50  }
0xd2: {  	[sflag:s14] =	ssyncset.done $0x0  }
0xd3: {  	[sflag:s14] =	ssyncadd.s32 $0xFFFFFFB0  }
0xd4: {  	_ =	swait.ge [sflag:s0], $0x2800  }
0xd5: {  	[sflag:s0] =	ssyncset.done $0x0  }
0xd6: {  	[sflag:s0] =	ssyncadd.s32 $0xFFFFD800  }
0xd7: {  	[spmem:s2] =	stream.indirect.scatter.add.f32 [tilespmem:s8], [sflag:$0x7], $0x80, s6, s29, $0xb8;
	[tilespmem:$0x1E000] =	vst v63  }
0xd8: {  	_ =	swait.ge [sflag:s26], $0x2800  }
0xd9: {  	[sflag:s26] =	ssyncset.done $0x0  }
0xda: {  	[sflag:s26] =	ssyncadd.s32 $0xFFFFD800  }
0xdb: {  	_ =	swait.ge [sflag:s9], $0x50  }
0xdc: {  	[sflag:s9] =	ssyncset.done $0x0  }
0xdd: {  	[sflag:s9] =	ssyncadd.s32 $0xFFFFFFB0  }
0xde: {  	_ =	swait.ge [sflag:s10], $0x2800  }
0xdf: {  	[sflag:s10] =	ssyncset.done $0x0  }
0xe0: {  	[sflag:s10] =	ssyncadd.s32 $0xFFFFD800  }
0xe1: {  	[spmem:s2] =	stream.indirect.scatter.add.f32 [tilespmem:s30], [sflag:$0x7], $0x80, s28, s29, $0xb8;
	[tilespmem:$0x1E000] =	vst v63  }
0xe2: {  	_ =	swait.ge [sflag:s26], $0x2800  }
0xe3: {  	[sflag:s26] =	ssyncset.done $0x0  }
0xe4: {  	[sflag:s26] =	ssyncadd.s32 $0xFFFFD800  }
0xe5: {  	_ =	swait.ge [sflag:s11], $0x50  }
0xe6: {  	[sflag:s11] =	ssyncset.done $0x0  }
0xe7: {  	[sflag:s11] =	ssyncadd.s32 $0xFFFFFFB0  }
0xe8: {  	_ =	swait.ge [sflag:s12], $0x2800  }
0xe9: {  	[sflag:s12] =	ssyncset.done $0x0  }
0xea: {  	[sflag:s12] =	ssyncadd.s32 $0xFFFFD800  }
0xeb: {  	[spmem:s2] =	stream.indirect.scatter.add.f32 [tilespmem:s1], [sflag:$0x7], $0x80, s31, s29, $0xb8;
	[tilespmem:$0x1E000] =	vst v63  }
0xec: {  	_ =	swait.ge [sflag:s26], $0x2800  }
0xed: {  	[sflag:s26] =	ssyncset.done $0x0  }
0xee: {  	[sflag:s26] =	ssyncadd.s32 $0xFFFFD800  }
0xef: {  	[bflag:$0x0] =	sbarrier.arrive $0xFFFF  }
0xf0: {  	s19 =	rddreg [dreg:$0x10]  }
0xf1: {  	[hbm:s19], [sflag:s13] =	dma.local [spmem:s5], $0x2800  }
0xf2: {  	_ =	swait.ge [sflag:s26], $0x2800  }
0xf3: {  	s7 =	sadd.s32 $0x1, s7;
	s20 =	rddreg [dreg:$0x11]  }
0xf4: {  	p1 =	sne.s32 s7, s20  }
.Ltmp4:
0xf5: {  	_ = 	snop;
	(pc) =	sbr.rel @p1 .LBB2_1-.Ltmp4, $3  }
0xf6: {  	_ =	sdelay $0x1  }
0xf7: {  	[sflag:s26] =	ssyncset.done $0x0  }
0xf8: {  	[sflag:s26] =	ssyncadd.s32 $0xFFFFD800  }
0xf9: {  	_ =	sfence.sel $0x180000  }
0xfa: {  	[bflag:$0x0] =	sbarrier.arrive $0xFFFF  }
0xfb: {  	_ =	strace $0x9000004A  }
0xfc: {  	s0 =	stileid.u32;
	[bflag:$0x2] =	sbarrier.arrive $0xFFFF  }
0xfd: {  	p0 =	sne.s32 s0, $0x0;
	s0 =	rddreg [dreg:$0x2]  }
0xfe: {  	s0 =	sadd.s32 @!p0 $0x100000, s0  }
0xff: {  	[sflag:s0] =	ssyncadd.tile.s32 @!p0 $0x1;
	_ =	shalt  }
.Lfunc_end2:
_tile_overlayer_lowered:
.L_overlay_start_2:
0x100: {  	(tag) =	ssettag $0x2  }
0x101: {  	s0 =	rddreg [dreg:$0x0];
	s2 =	stileid.u32  }
0x102: {  	s1 =	rddreg [dreg:$0x1];
	p0 =	sne.s32 s2, $0x0  }
0x103: {  	s3 =	rddreg [dreg:$0x2];
	[bflag:$0x3] =	sbarrier.arrive $0xFFFF;
	s2 =	simm.s32 @!p0 $0x1C07  }
0x104: {  	[timem:s3], [sflag:s2] =	dma.local @!p0 [hbm:s0], s1  }
0x105: {  	s0 =	simm.s32 @!p0 $0x7  }
0x106: {  	_ =	swait.ge @!p0 [sflag:s0], s1  }
0x107: {  	s1 =	ssub.s32 @!p0 $0x0, s1;
	[sflag:s0] =	ssyncset.done @!p0 $0x0  }
0x108: {  	[sflag:s0] =	ssyncadd.s32 @!p0 s1  }
0x109: {  	[bflag:$0x3] =	sbarrier.arrive $0xFFFF  }
0x10a: {  	_ =	shalt  }

</sc_bundles>
